<compile_context>
chip_gen: v7x
topology: tpu7x:2x2x1
jax: 0.10.2.dev20260603
libtpu: 0.0.44.dev20260713+nightly
codegen_flags: <defaults>
</compile_context>

<pallas_src>
import functools

import jax
import jax.numpy as jnp
from jax import lax
from jax.experimental import pallas as pl
from jax.experimental.pallas import tpu as pltpu
from jax.experimental.pallas import tpu_sc as plsc

NUM_BUCKETS = 1000000
NC, NS, LANES = 2, 16, 16
NUM_WORKERS = NC * NS

CHUNK = 1 << 18


def _tc_pack_rows(table_t, cols_per_blk=16384):
    e, v = table_t.shape
    w = 4 * e
    grid = CHUNK // cols_per_blk
    n_lane_blocks = (v + cols_per_blk - 1) // cols_per_blk

    def body(x0_ref, x1_ref, x2_ref, x3_ref, o_ref):
        xcat = jnp.concatenate(
            [x0_ref[...], x1_ref[...], x2_ref[...], x3_ref[...]], axis=0)
        o_ref[...] = xcat.T

    def in_map(k):
        off = k * grid
        return lambda i: (0, jnp.minimum(i + off, n_lane_blocks - 1))

    return pl.pallas_call(
        body,
        out_shape=jax.ShapeDtypeStruct((CHUNK, w), jnp.float32),
        grid=(grid,),
        in_specs=[pl.BlockSpec((e, cols_per_blk), in_map(k)) for k in range(4)],
        out_specs=pl.BlockSpec((cols_per_blk, w), lambda i: (i, 0)),
    )(table_t, table_t, table_t, table_t)


def _sc_hash_gather(cur, prev, table_wide):
    n = cur.shape[0]
    w = table_wide.shape[1]
    b_per_w = n // NUM_WORKERS
    mesh = plsc.VectorSubcoreMesh(core_axis_name="c", subcore_axis_name="s")

    @functools.partial(
        pl.kernel,
        mesh=mesh,
        out_type=jax.ShapeDtypeStruct((n, w), jnp.float32),
        compiler_params=pltpu.CompilerParams(use_tc_tiling_on_sc=False,
                                             needs_layout_passes=False),
        scratch_types=[
            pltpu.VMEM((b_per_w,), jnp.int32),
            pltpu.VMEM((b_per_w,), jnp.int32),
            pltpu.VMEM((b_per_w,), jnp.int32),
            pltpu.VMEM((b_per_w,), jnp.int32),
            pltpu.VMEM((b_per_w, w), jnp.float32),
            pltpu.SemaphoreType.DMA,
        ],
    )
    def gather_kernel(cur_hbm, prev_hbm, table_hbm, rows_out_hbm,
                      cur_v, prev_v, idx_v, idx4_v, rows_v, sem):
        wid = (lax.axis_index("s") * jnp.int32(NC)
               + lax.axis_index("c")).astype(jnp.int32)
        base = wid * jnp.int32(b_per_w)
        pltpu.sync_copy(cur_hbm.at[pl.ds(base, b_per_w)], cur_v)
        pltpu.sync_copy(prev_hbm.at[pl.ds(base, b_per_w)], prev_v)

        k10 = jnp.full((LANES,), 10, dtype=jnp.int32)
        k100k = jnp.full((LANES,), 100000, dtype=jnp.int32)
        k4729 = jnp.full((LANES,), 4729, dtype=jnp.int32)
        kmod = jnp.full((LANES,), NUM_BUCKETS, dtype=jnp.int32)
        kmask = jnp.full((LANES,), CHUNK - 1, dtype=jnp.int32)

        @pl.loop(0, b_per_w, step=LANES)
        def _(i):
            p = prev_v[pl.ds(i, LANES)]
            c = cur_v[pl.ds(i, LANES)]
            h = ((p % k10) * k100k + p * k4729 + c) % kmod
            idx_v[pl.ds(i, LANES)] = h
            idx4_v[pl.ds(i, LANES)] = h & kmask

        pltpu.async_copy(table_hbm.at[idx4_v], rows_v, sem).wait()

        iota16 = jnp.arange(LANES, dtype=jnp.int32)
        col0 = jnp.zeros((LANES,), jnp.int32)
        col1 = jnp.ones((LANES,), jnp.int32)
        km2 = jnp.full((LANES,), -2, dtype=jnp.int32)
        k1 = jnp.full((LANES,), 1, dtype=jnp.int32)
        k18 = jnp.full((LANES,), 18, dtype=jnp.int32)
        k19 = jnp.full((LANES,), 19, dtype=jnp.int32)

        @pl.loop(0, b_per_w, step=LANES)
        def _(j):
            tok = iota16 + lax.broadcast_in_dim(j, (LANES,), ())
            h = idx_v[pl.ds(j, LANES)]
            b0 = lax.shift_right_logical(h, k18) & k1
            b1 = lax.shift_right_logical(h, k19) & k1
            v0 = plsc.bitcast(plsc.load_gather(rows_v, [tok, col0]), jnp.int32)
            v1 = plsc.bitcast(plsc.load_gather(rows_v, [tok, col1]), jnp.int32)
            plsc.store_scatter(rows_v, [tok, col0],
                               plsc.bitcast((v0 & km2) | b0, jnp.float32))
            plsc.store_scatter(rows_v, [tok, col1],
                               plsc.bitcast((v1 & km2) | b1, jnp.float32))

        pltpu.sync_copy(rows_v, rows_out_hbm.at[pl.ds(base, b_per_w)])

    return gather_kernel(cur, prev, table_wide)


def _tc_select_project(rows, w_t, block_rows=4096):
    n, w = rows.shape
    e, m = w_t.shape
    pack = w // e
    grid = n // block_rows

    def body(g_ref, w_ref, o_ref):
        g0 = lax.bitcast_convert_type(g_ref[:, 0:1], jnp.int32)
        g1 = lax.bitcast_convert_type(g_ref[:, 1:2], jnp.int32)
        slot = (g0 & 1) | ((g1 & 1) << 1)
        emb = jnp.zeros((block_rows, e), jnp.float32)
        for k in range(pack):
            sel = slot == k
            emb = emb + jnp.where(sel, g_ref[:, k * e:(k + 1) * e], 0.0)
        o_ref[...] = jnp.dot(emb, w_ref[...], preferred_element_type=jnp.float32)

    return pl.pallas_call(
        body,
        out_shape=jax.ShapeDtypeStruct((n, m), jnp.float32),
        grid=(grid,),
        in_specs=[
            pl.BlockSpec((block_rows, w), lambda i: (i, 0)),
            pl.BlockSpec((e, m), lambda i: (0, 0)),
        ],
        out_specs=pl.BlockSpec((block_rows, m), lambda i: (i, 0)),
    )(rows, w_t)


def kernel(input_ids, embed_weight, proj_weight):
    b, s = input_ids.shape
    m = proj_weight.shape[0]
    ids32 = input_ids.astype(jnp.int32)
    prev32 = jnp.concatenate([ids32[:, :1], ids32[:, :-1]], axis=1)
    cur = ids32.reshape(-1)
    prev = prev32.reshape(-1)
    with jax.enable_x64(False):
        table_wide = _tc_pack_rows(embed_weight.T)
        rows = _sc_hash_gather(cur, prev, table_wide)
        out = _tc_select_project(rows, proj_weight.T)
    return out.reshape(b, s, m)

# --- scband reference (transcript-rebuilt; emitter-appended) ---
"""Pipeline reference for scband-bigram-hash-embed-17592186045221 (READ-ONLY COPY).

The authoritative reference and input builder live on the scoring server;
editing this copy changes nothing except your own understanding.
"""

import jax, jax.numpy as jnp
import numpy as np
jax.config.update("jax_enable_x64", True)

NUM_BUCKETS = 1000000
EMBED_DIM = 32
MODEL_DIM = 768
BATCH = 4
SEQ = 4096
VOCAB = 50257


def setup_inputs(seed: int = 0) -> dict:
    key = jax.random.key(seed)
    k1, k2, k3 = jax.random.split(key, 3)
    input_ids = jax.random.randint(k1, (BATCH, SEQ), 0, VOCAB, dtype=jnp.int64)
    # nn.Embedding weight, init normal std=0.01
    embed_weight = jax.random.normal(k2, (NUM_BUCKETS, EMBED_DIM), dtype=jnp.float32) * 0.01
    # CastedLinear(embed_dim, model_dim, bias=False) weight [model_dim, embed_dim]
    bound = 1.0 / np.sqrt(EMBED_DIM)
    proj_weight = jax.random.uniform(k3, (MODEL_DIM, EMBED_DIM), dtype=jnp.float32, minval=-bound, maxval=bound)
    return {"input_ids": input_ids, "embed_weight": embed_weight, "proj_weight": proj_weight}


def reference(input_ids, embed_weight, proj_weight):
    # prev_ids = cat([input_ids[:, :1], input_ids[:, :-1]], dim=1)
    prev_ids = jnp.concatenate([input_ids[:, :1], input_ids[:, :-1]], axis=1)
    # hash(prev, cur) -> bucket index (int64 arithmetic, matches torch)
    bigram_idx = (prev_ids.astype(jnp.int64) * 104729 + input_ids.astype(jnp.int64)) % NUM_BUCKETS
    # embedding gather
    bigram_emb = jnp.take(embed_weight, bigram_idx, axis=0)  # [B, S, embed_dim]
    # CastedLinear forward with _ste_qat=False, bias=None -> plain linear
    return bigram_emb @ proj_weight.T  # [B, S, model_dim]

if __name__ == "__main__":
    import jax
    _d = setup_inputs()
    print(jax.jit(kernel)(*tuple(_d.values())))

</pallas_src>

<mosaic_0001>
#map = affine_map<(d0, d1) -> (0)>
#map1 = affine_map<(d0, d1) -> (0, 0)>
module attributes {stable_mosaic.version = 14 : i64} {
  func.func @gather_kernel(%arg0: i32, %arg1: i32, %arg2: memref<16384xi32, #tpu.memory_space<hbm>>, %arg3: memref<16384xi32, #tpu.memory_space<hbm>>, %arg4: memref<262144x128xf32, #tpu.memory_space<hbm>>, %arg5: memref<16384x128xf32, #tpu.memory_space<hbm>>, %arg6: memref<512xi32, #tpu.memory_space<vmem>>, %arg7: memref<512xi32, #tpu.memory_space<vmem>>, %arg8: memref<512xi32, #tpu.memory_space<vmem>>, %arg9: memref<512xi32, #tpu.memory_space<vmem>>, %arg10: memref<512x128xf32, #tpu.memory_space<vmem>>, %arg11: memref<!tpu.dma_semaphore, #tpu.memory_space<semaphore_mem>>) attributes {dimension_semantics = [#tpu.dimension_semantics<core_parallel>, #tpu.dimension_semantics<subcore_parallel>], iteration_bounds = array<i64: 2, 16>, scalar_prefetch = 0 : i64, scratch_operands = 6 : i64, tpu.core_type = #tpu.core_type<sc_vector_subcore>, window_params = [{transform_indices = #map}, {transform_indices = #map}, {transform_indices = #map1}, {transform_indices = #map1}]} {
    %mul3A = arith.constant 2 : i32
    %mul3A_0 = arith.muli %arg1, %mul3A : i32
    %add3A = arith.addi %mul3A_0, %arg0 : i32
    %mul3A_1 = arith.constant 512 : i32
    %mul3A_2 = arith.muli %add3A, %mul3A_1 : i32
    "tpu.region"() ({
      %run_scoped3A = tpu.sem_alloc : memref<!tpu.dma_semaphore, #tpu.memory_space<semaphore_mem>>
      %dma_start3A_37 = tpu.memref_slice %arg2[%mul3A_2] : memref<16384xi32, #tpu.memory_space<hbm>> -> memref<512xi32, #tpu.memory_space<hbm>>
      %dma_start3A_38 = tpu.memref_slice %arg2[%mul3A_2] : memref<16384xi32, #tpu.memory_space<hbm>> -> memref<512xi32, #tpu.memory_space<hbm>>
      tpu.enqueue_dma source(%dma_start3A_38 : memref<512xi32, #tpu.memory_space<hbm>>) target(%arg6 : memref<512xi32, #tpu.memory_space<vmem>>) target_semaphore(%run_scoped3A : memref<!tpu.dma_semaphore, #tpu.memory_space<semaphore_mem>>)
      %dma_wait3A_39 = tpu.memref_slice %arg2[%mul3A_2] : memref<16384xi32, #tpu.memory_space<hbm>> -> memref<512xi32, #tpu.memory_space<hbm>>
      %dma_wait3A_40 = tpu.memref_slice %arg2[%mul3A_2] : memref<16384xi32, #tpu.memory_space<hbm>> -> memref<512xi32, #tpu.memory_space<hbm>>
      tpu.wait_dma2 semaphore(%run_scoped3A : memref<!tpu.dma_semaphore, #tpu.memory_space<semaphore_mem>>) src(%dma_wait3A_40 : memref<512xi32, #tpu.memory_space<hbm>>) dst(%arg6 : memref<512xi32, #tpu.memory_space<vmem>>)
      tpu.yield
    }) : () -> ()
    "tpu.region"() ({
      %run_scoped3A = tpu.sem_alloc : memref<!tpu.dma_semaphore, #tpu.memory_space<semaphore_mem>>
      %dma_start3A_37 = tpu.memref_slice %arg3[%mul3A_2] : memref<16384xi32, #tpu.memory_space<hbm>> -> memref<512xi32, #tpu.memory_space<hbm>>
      %dma_start3A_38 = tpu.memref_slice %arg3[%mul3A_2] : memref<16384xi32, #tpu.memory_space<hbm>> -> memref<512xi32, #tpu.memory_space<hbm>>
      tpu.enqueue_dma source(%dma_start3A_38 : memref<512xi32, #tpu.memory_space<hbm>>) target(%arg7 : memref<512xi32, #tpu.memory_space<vmem>>) target_semaphore(%run_scoped3A : memref<!tpu.dma_semaphore, #tpu.memory_space<semaphore_mem>>)
      %dma_wait3A_39 = tpu.memref_slice %arg3[%mul3A_2] : memref<16384xi32, #tpu.memory_space<hbm>> -> memref<512xi32, #tpu.memory_space<hbm>>
      %dma_wait3A_40 = tpu.memref_slice %arg3[%mul3A_2] : memref<16384xi32, #tpu.memory_space<hbm>> -> memref<512xi32, #tpu.memory_space<hbm>>
      tpu.wait_dma2 semaphore(%run_scoped3A : memref<!tpu.dma_semaphore, #tpu.memory_space<semaphore_mem>>) src(%dma_wait3A_40 : memref<512xi32, #tpu.memory_space<hbm>>) dst(%arg7 : memref<512xi32, #tpu.memory_space<vmem>>)
      tpu.yield
    }) : () -> ()
    %broadcast_in_dim3A = arith.constant 10 : i32
    %broadcast_in_dim3A_3 = vector.broadcast %broadcast_in_dim3A : i32 to vector<16xi32>
    %broadcast_in_dim3A_4 = arith.constant 100000 : i32
    %broadcast_in_dim3A_5 = vector.broadcast %broadcast_in_dim3A_4 : i32 to vector<16xi32>
    %broadcast_in_dim3A_6 = arith.constant 4729 : i32
    %broadcast_in_dim3A_7 = vector.broadcast %broadcast_in_dim3A_6 : i32 to vector<16xi32>
    %broadcast_in_dim3A_8 = arith.constant 1000000 : i32
    %broadcast_in_dim3A_9 = vector.broadcast %broadcast_in_dim3A_8 : i32 to vector<16xi32>
    %broadcast_in_dim3A_10 = arith.constant 262143 : i32
    %broadcast_in_dim3A_11 = vector.broadcast %broadcast_in_dim3A_10 : i32 to vector<16xi32>
    %scan3A = arith.constant 0 : i32
    %scan3A_12 = arith.constant 32 : i32
    %scan3A_13 = arith.addi %scan3A, %scan3A_12 : i32
    %scan3A_14 = arith.constant 1 : i32
    scf.for %scan3A_37 = %scan3A to %scan3A_13 step %scan3A_14  : i32 {
      %mul3A_38 = arith.constant 16 : i32
      %mul3A_39 = arith.muli %scan3A_37, %mul3A_38 : i32
      %add3A_40 = arith.constant 0 : i32
      %add3A_41 = arith.addi %add3A_40, %mul3A_39 : i32
      %get3A = arith.index_cast %add3A_41 : i32 to index
      %get3A_42 = tpu.vector_load %arg7[%get3A] {strides = array<i32>} : memref<512xi32, #tpu.memory_space<vmem>>, vector<16xi32>,
      %get3A_43 = arith.index_cast %add3A_41 : i32 to index
      %get3A_44 = tpu.vector_load %arg6[%get3A_43] {strides = array<i32>} : memref<512xi32, #tpu.memory_space<vmem>>, vector<16xi32>,
      %eq3A = arith.constant 0 : i32
      %eq3A_45 = vector.broadcast %eq3A : i32 to vector<16xi32>
      %eq3A_46 = arith.cmpi eq, %broadcast_in_dim3A_3, %eq3A_45 : vector<16xi32>
      %broadcast_in_dim3A_47 = arith.constant 1 : i32
      %broadcast_in_dim3A_48 = vector.broadcast %broadcast_in_dim3A_47 : i32 to vector<16xi32>
      %select_n3A = arith.select %eq3A_46, %broadcast_in_dim3A_48, %broadcast_in_dim3A_3 : vector<16xi1>, vector<16xi32>
      %rem3A = arith.remsi %get3A_42, %select_n3A : vector<16xi32>
      %ne3A = arith.constant 0 : i32
      %ne3A_49 = vector.broadcast %ne3A : i32 to vector<16xi32>
      %ne3A_50 = arith.cmpi ne, %rem3A, %ne3A_49 : vector<16xi32>
      %lt3A = arith.constant 0 : i32
      %lt3A_51 = vector.broadcast %lt3A : i32 to vector<16xi32>
      %lt3A_52 = arith.cmpi slt, %rem3A, %lt3A_51 : vector<16xi32>
      %lt3A_53 = arith.constant 0 : i32
      %lt3A_54 = vector.broadcast %lt3A_53 : i32 to vector<16xi32>
      %lt3A_55 = arith.cmpi slt, %select_n3A, %lt3A_54 : vector<16xi32>
      %ne3A_56 = arith.xori %lt3A_52, %lt3A_55 : vector<16xi1>
      %and3A = arith.andi %ne3A_56, %ne3A_50 : vector<16xi1>
      %add3A_57 = arith.addi %rem3A, %select_n3A : vector<16xi32>
      %select_n3A_58 = arith.select %and3A, %add3A_57, %rem3A : vector<16xi1>, vector<16xi32>
      %mul3A_59 = arith.muli %select_n3A_58, %broadcast_in_dim3A_5 : vector<16xi32>
      %mul3A_60 = arith.muli %get3A_42, %broadcast_in_dim3A_7 : vector<16xi32>
      %add3A_61 = arith.addi %mul3A_59, %mul3A_60 : vector<16xi32>
      %add3A_62 = arith.addi %add3A_61, %get3A_44 : vector<16xi32>
      %eq3A_63 = arith.constant 0 : i32
      %eq3A_64 = vector.broadcast %eq3A_63 : i32 to vector<16xi32>
      %eq3A_65 = arith.cmpi eq, %broadcast_in_dim3A_9, %eq3A_64 : vector<16xi32>
      %broadcast_in_dim3A_66 = arith.constant 1 : i32
      %broadcast_in_dim3A_67 = vector.broadcast %broadcast_in_dim3A_66 : i32 to vector<16xi32>
      %select_n3A_68 = arith.select %eq3A_65, %broadcast_in_dim3A_67, %broadcast_in_dim3A_9 : vector<16xi1>, vector<16xi32>
      %rem3A_69 = arith.remsi %add3A_62, %select_n3A_68 : vector<16xi32>
      %ne3A_70 = arith.constant 0 : i32
      %ne3A_71 = vector.broadcast %ne3A_70 : i32 to vector<16xi32>
      %ne3A_72 = arith.cmpi ne, %rem3A_69, %ne3A_71 : vector<16xi32>
      %lt3A_73 = arith.constant 0 : i32
      %lt3A_74 = vector.broadcast %lt3A_73 : i32 to vector<16xi32>
      %lt3A_75 = arith.cmpi slt, %rem3A_69, %lt3A_74 : vector<16xi32>
      %lt3A_76 = arith.constant 0 : i32
      %lt3A_77 = vector.broadcast %lt3A_76 : i32 to vector<16xi32>
      %lt3A_78 = arith.cmpi slt, %select_n3A_68, %lt3A_77 : vector<16xi32>
      %ne3A_79 = arith.xori %lt3A_75, %lt3A_78 : vector<16xi1>
      %and3A_80 = arith.andi %ne3A_79, %ne3A_72 : vector<16xi1>
      %add3A_81 = arith.addi %rem3A_69, %select_n3A_68 : vector<16xi32>
      %select_n3A_82 = arith.select %and3A_80, %add3A_81, %rem3A_69 : vector<16xi1>, vector<16xi32>
      %swap3A = arith.index_cast %add3A_41 : i32 to index
      %swap3A_83 = tpu.vector_load %arg8[%swap3A] {strides = array<i32>} : memref<512xi32, #tpu.memory_space<vmem>>, vector<16xi32>,
      tpu.vector_store %arg8[%swap3A], %select_n3A_82 {strides = array<i32>} : memref<512xi32, #tpu.memory_space<vmem>>, vector<16xi32>,
      %and3A_84 = arith.andi %select_n3A_82, %broadcast_in_dim3A_11 : vector<16xi32>
      %swap3A_85 = arith.index_cast %add3A_41 : i32 to index
      %swap3A_86 = tpu.vector_load %arg9[%swap3A_85] {strides = array<i32>} : memref<512xi32, #tpu.memory_space<vmem>>, vector<16xi32>,
      tpu.vector_store %arg9[%swap3A_85], %and3A_84 {strides = array<i32>} : memref<512xi32, #tpu.memory_space<vmem>>, vector<16xi32>,
    }
    %scan3A_15 = arith.constant 32 : i32
    %dma_start3A = arith.constant 0 : i32
    %dma_start3A_16 = arith.constant 0 : i32
    %dma_start3A_17 = tpu.memref_slice %arg4[%dma_start3A, %dma_start3A_16] : memref<262144x128xf32, #tpu.memory_space<hbm>> -> memref<262144x128xf32, #tpu.memory_space<hbm>>
    tpu.enqueue_indirect_dma source(%dma_start3A_17 : memref<262144x128xf32, #tpu.memory_space<hbm>>) target(%arg10 : memref<512x128xf32, #tpu.memory_space<vmem>>) offsets(%arg9 : memref<512xi32, #tpu.memory_space<vmem>>) semaphore(%arg11 : memref<!tpu.dma_semaphore, #tpu.memory_space<semaphore_mem>>)
    %dma_wait3A = arith.constant 0 : i32
    %dma_wait3A_18 = arith.constant 0 : i32
    %dma_wait3A_19 = tpu.memref_slice %arg4[%dma_wait3A, %dma_wait3A_18] : memref<262144x128xf32, #tpu.memory_space<hbm>> -> memref<262144x128xf32, #tpu.memory_space<hbm>>
    tpu.wait_indirect_dma semaphore(%arg11 : memref<!tpu.dma_semaphore, #tpu.memory_space<semaphore_mem>>) src(%dma_wait3A_19 : memref<262144x128xf32, #tpu.memory_space<hbm>>) dst(%arg10 : memref<512x128xf32, #tpu.memory_space<vmem>>)
    %iota3A = tpu.iota {dimensions = array<i32: 0>} : vector<16xi32>
    %broadcast_in_dim3A_20 = arith.constant 0 : i32
    %broadcast_in_dim3A_21 = vector.broadcast %broadcast_in_dim3A_20 : i32 to vector<16xi32>
    %broadcast_in_dim3A_22 = arith.constant 1 : i32
    %broadcast_in_dim3A_23 = vector.broadcast %broadcast_in_dim3A_22 : i32 to vector<16xi32>
    %broadcast_in_dim3A_24 = arith.constant -2 : i32
    %broadcast_in_dim3A_25 = vector.broadcast %broadcast_in_dim3A_24 : i32 to vector<16xi32>
    %broadcast_in_dim3A_26 = arith.constant 1 : i32
    %broadcast_in_dim3A_27 = vector.broadcast %broadcast_in_dim3A_26 : i32 to vector<16xi32>
    %broadcast_in_dim3A_28 = arith.constant 18 : i32
    %broadcast_in_dim3A_29 = vector.broadcast %broadcast_in_dim3A_28 : i32 to vector<16xi32>
    %broadcast_in_dim3A_30 = arith.constant 19 : i32
    %broadcast_in_dim3A_31 = vector.broadcast %broadcast_in_dim3A_30 : i32 to vector<16xi32>
    %scan3A_32 = arith.constant 0 : i32
    %scan3A_33 = arith.constant 32 : i32
    %scan3A_34 = arith.addi %scan3A_32, %scan3A_33 : i32
    %scan3A_35 = arith.constant 1 : i32
    scf.for %scan3A_37 = %scan3A_32 to %scan3A_34 step %scan3A_35  : i32 {
      %mul3A_38 = arith.constant 16 : i32
      %mul3A_39 = arith.muli %scan3A_37, %mul3A_38 : i32
      %add3A_40 = arith.constant 0 : i32
      %add3A_41 = arith.addi %add3A_40, %mul3A_39 : i32
      %broadcast_in_dim3A_42 = vector.broadcast %add3A_41 : i32 to vector<16xi32>
      %add3A_43 = arith.addi %iota3A, %broadcast_in_dim3A_42 : vector<16xi32>
      %get3A = arith.index_cast %add3A_41 : i32 to index
      %get3A_44 = tpu.vector_load %arg8[%get3A] {strides = array<i32>} : memref<512xi32, #tpu.memory_space<vmem>>, vector<16xi32>,
      %shift_right_logical3A = arith.shrui %get3A_44, %broadcast_in_dim3A_29 : vector<16xi32>
      %and3A = arith.andi %shift_right_logical3A, %broadcast_in_dim3A_27 : vector<16xi32>
      %shift_right_logical3A_45 = arith.shrui %get3A_44, %broadcast_in_dim3A_31 : vector<16xi32>
      %and3A_46 = arith.andi %shift_right_logical3A_45, %broadcast_in_dim3A_27 : vector<16xi32>
      %gather3A = tpu.vector_load_idx %arg10[%add3A_43, %broadcast_in_dim3A_21] : memref<512x128xf32, #tpu.memory_space<vmem>>[vector<16xi32>, vector<16xi32>], vector<16xf32>,
      %bitcast3A = vector.bitcast %gather3A : vector<16xf32> to vector<16xi32>
      %gather3A_47 = tpu.vector_load_idx %arg10[%add3A_43, %broadcast_in_dim3A_23] : memref<512x128xf32, #tpu.memory_space<vmem>>[vector<16xi32>, vector<16xi32>], vector<16xf32>,
      %bitcast3A_48 = vector.bitcast %gather3A_47 : vector<16xf32> to vector<16xi32>
      %and3A_49 = arith.andi %bitcast3A, %broadcast_in_dim3A_25 : vector<16xi32>
      %or3A = arith.ori %and3A_49, %and3A : vector<16xi32>
      %bitcast3A_50 = vector.bitcast %or3A : vector<16xi32> to vector<16xf32>
      tpu.vector_store_idx %arg10[%add3A_43, %broadcast_in_dim3A_21], %bitcast3A_50 : memref<512x128xf32, #tpu.memory_space<vmem>>[vector<16xi32>, vector<16xi32>], vector<16xf32>,
      %and3A_51 = arith.andi %bitcast3A_48, %broadcast_in_dim3A_25 : vector<16xi32>
      %or3A_52 = arith.ori %and3A_51, %and3A_46 : vector<16xi32>
      %bitcast3A_53 = vector.bitcast %or3A_52 : vector<16xi32> to vector<16xf32>
      tpu.vector_store_idx %arg10[%add3A_43, %broadcast_in_dim3A_23], %bitcast3A_53 : memref<512x128xf32, #tpu.memory_space<vmem>>[vector<16xi32>, vector<16xi32>], vector<16xf32>,
    }
    %scan3A_36 = arith.constant 32 : i32
    "tpu.region"() ({
      %run_scoped3A = tpu.sem_alloc : memref<!tpu.dma_semaphore, #tpu.memory_space<semaphore_mem>>
      %dma_start3A_37 = arith.constant 0 : i32
      %dma_start3A_38 = tpu.memref_slice %arg5[%mul3A_2, %dma_start3A_37] : memref<16384x128xf32, #tpu.memory_space<hbm>> -> memref<512x128xf32, #tpu.memory_space<hbm>>
      %dma_start3A_39 = arith.constant 0 : i32
      %dma_start3A_40 = tpu.memref_slice %arg5[%mul3A_2, %dma_start3A_39] : memref<16384x128xf32, #tpu.memory_space<hbm>> -> memref<512x128xf32, #tpu.memory_space<hbm>>
      tpu.enqueue_dma source(%arg10 : memref<512x128xf32, #tpu.memory_space<vmem>>) target(%dma_start3A_40 : memref<512x128xf32, #tpu.memory_space<hbm>>) target_semaphore(%run_scoped3A : memref<!tpu.dma_semaphore, #tpu.memory_space<semaphore_mem>>)
      %dma_wait3A_41 = arith.constant 0 : i32
      %dma_wait3A_42 = tpu.memref_slice %arg5[%mul3A_2, %dma_wait3A_41] : memref<16384x128xf32, #tpu.memory_space<hbm>> -> memref<512x128xf32, #tpu.memory_space<hbm>>
      %dma_wait3A_43 = arith.constant 0 : i32
      %dma_wait3A_44 = tpu.memref_slice %arg5[%mul3A_2, %dma_wait3A_43] : memref<16384x128xf32, #tpu.memory_space<hbm>> -> memref<512x128xf32, #tpu.memory_space<hbm>>
      tpu.wait_dma2 semaphore(%run_scoped3A : memref<!tpu.dma_semaphore, #tpu.memory_space<semaphore_mem>>) src(%arg10 : memref<512x128xf32, #tpu.memory_space<vmem>>) dst(%dma_wait3A_44 : memref<512x128xf32, #tpu.memory_space<hbm>>)
      tpu.yield
    }) : () -> ()
    return
  }
}

module attributes {stable_mosaic.version = 14 : i64} {
  func.func @body(%arg0: i32, %arg1: memref<32x16384xf32, #tpu.memory_space<vmem>>, %arg2: memref<32x16384xf32, #tpu.memory_space<vmem>>, %arg3: memref<32x16384xf32, #tpu.memory_space<vmem>>, %arg4: memref<32x16384xf32, #tpu.memory_space<vmem>>, %arg5: memref<16384x128xf32, #tpu.memory_space<vmem>>) attributes {dimension_semantics = [#tpu.dimension_semantics<arbitrary>], iteration_bounds = array<i64: 16>, scalar_prefetch = 0 : i64, scratch_operands = 0 : i64, tpu.core_type = #tpu.core_type<tc>, window_params = [{transform_indices = @transform_0, window_bounds = array<i64: 32, 16384>}, {transform_indices = @transform_1, window_bounds = array<i64: 32, 16384>}, {transform_indices = @transform_2, window_bounds = array<i64: 32, 16384>}, {transform_indices = @transform_3, window_bounds = array<i64: 32, 16384>}, {transform_indices = @transform_4, window_bounds = array<i64: 16384, 128>}]} {
    %get3A = arith.constant 0 : index
    %get3A_0 = arith.constant 0 : index
    %get3A_1 = vector.load %arg1[%get3A, %get3A_0] : memref<32x16384xf32, #tpu.memory_space<vmem>>, vector<32x16384xf32>
    %get3A_2 = arith.constant 0 : index
    %get3A_3 = arith.constant 0 : index
    %get3A_4 = vector.load %arg2[%get3A_2, %get3A_3] : memref<32x16384xf32, #tpu.memory_space<vmem>>, vector<32x16384xf32>
    %get3A_5 = arith.constant 0 : index
    %get3A_6 = arith.constant 0 : index
    %get3A_7 = vector.load %arg3[%get3A_5, %get3A_6] : memref<32x16384xf32, #tpu.memory_space<vmem>>, vector<32x16384xf32>
    %get3A_8 = arith.constant 0 : index
    %get3A_9 = arith.constant 0 : index
    %get3A_10 = vector.load %arg4[%get3A_8, %get3A_9] : memref<32x16384xf32, #tpu.memory_space<vmem>>, vector<32x16384xf32>
    %concatenate3A = tpu.concatenate %get3A_1, %get3A_4, %get3A_7, %get3A_10 in 0 : vector<32x16384xf32>, vector<32x16384xf32>, vector<32x16384xf32>, vector<32x16384xf32> -> vector<128x16384xf32>
    %transpose3A = tpu.transpose %concatenate3A, [1, 0] : vector<128x16384xf32> -> vector<16384x128xf32>
    %swap3A = arith.constant 0 : index
    %swap3A_11 = arith.constant 0 : index
    %swap3A_12 = vector.load %arg5[%swap3A, %swap3A_11] : memref<16384x128xf32, #tpu.memory_space<vmem>>, vector<16384x128xf32>
    tpu.vector_store %arg5[%swap3A, %swap3A_11], %transpose3A {strides = array<i32>} : memref<16384x128xf32, #tpu.memory_space<vmem>>, vector<16384x128xf32>,
    return
  }
  func.func @transform_0(%arg0: i32) -> (i32, i32) {
    %add3A = arith.constant 0 : i32
    %add3A_0 = arith.addi %arg0, %add3A : i32
    %min3A = arith.constant 61 : i32
    %min3A_1 = arith.minsi %add3A_0, %min3A : i32
    %c0_i32 = arith.constant 0 : i32
    %c0_i32_2 = arith.constant 0 : i32
    return %c0_i32, %min3A_1 : i32, i32
  }
  func.func @transform_1(%arg0: i32) -> (i32, i32) {
    %add3A = arith.constant 16 : i32
    %add3A_0 = arith.addi %arg0, %add3A : i32
    %min3A = arith.constant 61 : i32
    %min3A_1 = arith.minsi %add3A_0, %min3A : i32
    %c0_i32 = arith.constant 0 : i32
    %c0_i32_2 = arith.constant 0 : i32
    return %c0_i32, %min3A_1 : i32, i32
  }
  func.func @transform_2(%arg0: i32) -> (i32, i32) {
    %add3A = arith.constant 32 : i32
    %add3A_0 = arith.addi %arg0, %add3A : i32
    %min3A = arith.constant 61 : i32
    %min3A_1 = arith.minsi %add3A_0, %min3A : i32
    %c0_i32 = arith.constant 0 : i32
    %c0_i32_2 = arith.constant 0 : i32
    return %c0_i32, %min3A_1 : i32, i32
  }
  func.func @transform_3(%arg0: i32) -> (i32, i32) {
    %add3A = arith.constant 48 : i32
    %add3A_0 = arith.addi %arg0, %add3A : i32
    %min3A = arith.constant 61 : i32
    %min3A_1 = arith.minsi %add3A_0, %min3A : i32
    %c0_i32 = arith.constant 0 : i32
    %c0_i32_2 = arith.constant 0 : i32
    return %c0_i32, %min3A_1 : i32, i32
  }
  func.func @transform_4(%arg0: i32) -> (i32, i32) {
    %c0_i32 = arith.constant 0 : i32
    %c0_i32_0 = arith.constant 0 : i32
    return %arg0, %c0_i32 : i32, i32
  }
}

module attributes {stable_mosaic.version = 14 : i64} {
  func.func @body(%arg0: i32, %arg1: memref<4096x128xf32, #tpu.memory_space<vmem>>, %arg2: memref<32x768xf32, #tpu.memory_space<vmem>>, %arg3: memref<4096x768xf32, #tpu.memory_space<vmem>>) attributes {dimension_semantics = [#tpu.dimension_semantics<arbitrary>], iteration_bounds = array<i64: 4>, scalar_prefetch = 0 : i64, scratch_operands = 0 : i64, tpu.core_type = #tpu.core_type<tc>, window_params = [{transform_indices = @transform_0, window_bounds = array<i64: 4096, 128>}, {pipeline_mode = #tpu.pipeline_mode<synchronous>, transform_indices = @transform_1, window_bounds = array<i64: 32, 768>}, {transform_indices = @transform_2, window_bounds = array<i64: 4096, 768>}]} {
    %get3A = arith.constant 0 : index
    %get3A_0 = arith.constant 0 : index
    %get3A_1 = vector.load %arg1[%get3A, %get3A_0] : memref<4096x128xf32, #tpu.memory_space<vmem>>, vector<4096x1xf32>
    %bitcast_convert_type3A = tpu.bitcast %get3A_1 : vector<4096x1xf32> -> vector<4096x1xi32>
    %get3A_2 = arith.constant 0 : index
    %get3A_3 = arith.constant 1 : index
    %get3A_4 = vector.load %arg1[%get3A_2, %get3A_3] : memref<4096x128xf32, #tpu.memory_space<vmem>>, vector<4096x1xf32>
    %bitcast_convert_type3A_5 = tpu.bitcast %get3A_4 : vector<4096x1xf32> -> vector<4096x1xi32>
    %and3A = arith.constant 1 : i32
    %and3A_6 = vector.broadcast %and3A : i32 to vector<4096x1xi32>
    %and3A_7 = arith.andi %bitcast_convert_type3A, %and3A_6 : vector<4096x1xi32>
    %and3A_8 = arith.constant 1 : i32
    %and3A_9 = vector.broadcast %and3A_8 : i32 to vector<4096x1xi32>
    %and3A_10 = arith.andi %bitcast_convert_type3A_5, %and3A_9 : vector<4096x1xi32>
    %shift_left3A = arith.constant 1 : i32
    %shift_left3A_11 = vector.broadcast %shift_left3A : i32 to vector<4096x1xi32>
    %shift_left3A_12 = arith.shli %and3A_10, %shift_left3A_11 : vector<4096x1xi32>
    %or3A = arith.ori %and3A_7, %shift_left3A_12 : vector<4096x1xi32>
    %broadcast_in_dim3A = arith.constant 0.000000e+00 : f32
    %broadcast_in_dim3A_13 = vector.broadcast %broadcast_in_dim3A : f32 to vector<4096x32xf32>
    %eq3A = arith.constant 0 : i32
    %eq3A_14 = vector.broadcast %eq3A : i32 to vector<4096x1xi32>
    %eq3A_15 = arith.cmpi eq, %or3A, %eq3A_14 : vector<4096x1xi32>
    %get3A_16 = arith.constant 0 : index
    %get3A_17 = arith.constant 0 : index
    %get3A_18 = vector.load %arg1[%get3A_16, %get3A_17] : memref<4096x128xf32, #tpu.memory_space<vmem>>, vector<4096x32xf32>
    %jit3A = arith.constant 0.000000e+00 : f32
    %broadcast_in_dim3A_19 = vector.shape_cast %eq3A_15 : vector<4096x1xi1> to vector<4096x1xi1>
    %broadcast_in_dim3A_20 = vector.broadcast %broadcast_in_dim3A_19 : vector<4096x1xi1> to vector<4096x32xi1>
    %broadcast_in_dim3A_21 = vector.broadcast %jit3A : f32 to vector<4096x32xf32>
    %select_n3A = arith.select %broadcast_in_dim3A_20, %get3A_18, %broadcast_in_dim3A_21 : vector<4096x32xi1>, vector<4096x32xf32>
    %add3A = arith.addf %broadcast_in_dim3A_13, %select_n3A : vector<4096x32xf32>
    %eq3A_22 = arith.constant 1 : i32
    %eq3A_23 = vector.broadcast %eq3A_22 : i32 to vector<4096x1xi32>
    %eq3A_24 = arith.cmpi eq, %or3A, %eq3A_23 : vector<4096x1xi32>
    %get3A_25 = arith.constant 0 : index
    %get3A_26 = arith.constant 32 : index
    %get3A_27 = vector.load %arg1[%get3A_25, %get3A_26] : memref<4096x128xf32, #tpu.memory_space<vmem>>, vector<4096x32xf32>
    %jit3A_28 = arith.constant 0.000000e+00 : f32
    %broadcast_in_dim3A_29 = vector.shape_cast %eq3A_24 : vector<4096x1xi1> to vector<4096x1xi1>
    %broadcast_in_dim3A_30 = vector.broadcast %broadcast_in_dim3A_29 : vector<4096x1xi1> to vector<4096x32xi1>
    %broadcast_in_dim3A_31 = vector.broadcast %jit3A_28 : f32 to vector<4096x32xf32>
    %select_n3A_32 = arith.select %broadcast_in_dim3A_30, %get3A_27, %broadcast_in_dim3A_31 : vector<4096x32xi1>, vector<4096x32xf32>
    %add3A_33 = arith.addf %add3A, %select_n3A_32 : vector<4096x32xf32>
    %eq3A_34 = arith.constant 2 : i32
    %eq3A_35 = vector.broadcast %eq3A_34 : i32 to vector<4096x1xi32>
    %eq3A_36 = arith.cmpi eq, %or3A, %eq3A_35 : vector<4096x1xi32>
    %get3A_37 = arith.constant 0 : index
    %get3A_38 = arith.constant 64 : index
    %get3A_39 = vector.load %arg1[%get3A_37, %get3A_38] : memref<4096x128xf32, #tpu.memory_space<vmem>>, vector<4096x32xf32>
    %jit3A_40 = arith.constant 0.000000e+00 : f32
    %broadcast_in_dim3A_41 = vector.shape_cast %eq3A_36 : vector<4096x1xi1> to vector<4096x1xi1>
    %broadcast_in_dim3A_42 = vector.broadcast %broadcast_in_dim3A_41 : vector<4096x1xi1> to vector<4096x32xi1>
    %broadcast_in_dim3A_43 = vector.broadcast %jit3A_40 : f32 to vector<4096x32xf32>
    %select_n3A_44 = arith.select %broadcast_in_dim3A_42, %get3A_39, %broadcast_in_dim3A_43 : vector<4096x32xi1>, vector<4096x32xf32>
    %add3A_45 = arith.addf %add3A_33, %select_n3A_44 : vector<4096x32xf32>
    %eq3A_46 = arith.constant 3 : i32
    %eq3A_47 = vector.broadcast %eq3A_46 : i32 to vector<4096x1xi32>
    %eq3A_48 = arith.cmpi eq, %or3A, %eq3A_47 : vector<4096x1xi32>
    %get3A_49 = arith.constant 0 : index
    %get3A_50 = arith.constant 96 : index
    %get3A_51 = vector.load %arg1[%get3A_49, %get3A_50] : memref<4096x128xf32, #tpu.memory_space<vmem>>, vector<4096x32xf32>
    %jit3A_52 = arith.constant 0.000000e+00 : f32
    %broadcast_in_dim3A_53 = vector.shape_cast %eq3A_48 : vector<4096x1xi1> to vector<4096x1xi1>
    %broadcast_in_dim3A_54 = vector.broadcast %broadcast_in_dim3A_53 : vector<4096x1xi1> to vector<4096x32xi1>
    %broadcast_in_dim3A_55 = vector.broadcast %jit3A_52 : f32 to vector<4096x32xf32>
    %select_n3A_56 = arith.select %broadcast_in_dim3A_54, %get3A_51, %broadcast_in_dim3A_55 : vector<4096x32xi1>, vector<4096x32xf32>
    %add3A_57 = arith.addf %add3A_45, %select_n3A_56 : vector<4096x32xf32>
    %get3A_58 = arith.constant 0 : index
    %get3A_59 = arith.constant 0 : index
    %get3A_60 = vector.load %arg2[%get3A_58, %get3A_59] : memref<32x768xf32, #tpu.memory_space<vmem>>, vector<32x768xf32>
    %dot_general3A = arith.constant dense<0.000000e+00> : vector<4096x768xf32>
    %dot_general3A_61 = tpu.matmul %add3A_57, %get3A_60, %dot_general3A {dimension_numbers = #tpu.dot_dimension_numbers<[1], [0], [0], [1], [0, 0, 1, 1], [], []>, transpose_lhs_hint = false} : vector<4096x32xf32>, vector<32x768xf32>, vector<4096x768xf32> -> vector<4096x768xf32>
    %swap3A = arith.constant 0 : index
    %swap3A_62 = arith.constant 0 : index
    %swap3A_63 = vector.load %arg3[%swap3A, %swap3A_62] : memref<4096x768xf32, #tpu.memory_space<vmem>>, vector<4096x768xf32>
    tpu.vector_store %arg3[%swap3A, %swap3A_62], %dot_general3A_61 {strides = array<i32>} : memref<4096x768xf32, #tpu.memory_space<vmem>>, vector<4096x768xf32>,
    return
  }
  func.func @transform_0(%arg0: i32) -> (i32, i32) {
    %c0_i32 = arith.constant 0 : i32
    %c0_i32_0 = arith.constant 0 : i32
    return %arg0, %c0_i32 : i32, i32
  }
  func.func @transform_1(%arg0: i32) -> (i32, i32) {
    %c0_i32 = arith.constant 0 : i32
    %c0_i32_0 = arith.constant 0 : i32
    %c0_i32_1 = arith.constant 0 : i32
    return %c0_i32, %c0_i32_0 : i32, i32
  }
  func.func @transform_2(%arg0: i32) -> (i32, i32) {
    %c0_i32 = arith.constant 0 : i32
    %c0_i32_0 = arith.constant 0 : i32
    return %arg0, %c0_i32 : i32, i32
  }
}

</mosaic_0001>

<sc_bundles>
// kernel: kernel.5.cloned.1.call-start
scs
__scs_entry_jumppad:
0x0: {  	(pc) =	sbr.rel $0x88, $3  }
0x1: {  	(tag) =	ssettag $0x0;
	lr =	simm.s32 $0x1  }
0x2: {  	[smem:$0x3F9E] =	sst lr;
	_ =	strace $0xD0000000  }
0x3: {  	_ = 	snop  }
0x4: {  	_ = 	snop  }
0x5: {  	_ = 	snop  }
0x6: {  	_ = 	snop  }
0x7: {  	_ = 	snop  }
__scs_overlays_trampoline_lowered:
0x8: {  	[smem:$0x3FAD] =	sst s0  }
0x9: {  	[smem:$0x3FAE] =	sst s1  }
0xa: {  	[smem:$0x3FAF] =	sst s2  }
0xb: {  	[smem:$0x3FB0] =	sst s3  }
0xc: {  	[smem:$0x3FB1] =	sst s4  }
0xd: {  	[smem:$0x3FB2] =	sst s5  }
0xe: {  	[smem:$0x3FB3] =	sst s6  }
0xf: {  	[smem:$0x3FB4] =	sst s7  }
0x10: {  	[smem:$0x3FB5] =	sst s8  }
0x11: {  	[smem:$0x3FB6] =	sst s9;
	s0 =	simm.s32 @!p0 $0x0  }
0x12: {  	s1 =	sld [smem:$0x3F9C];
	s0 =	simm.s32 @p0 $0x1  }
0x13: {  	[smem:$0x3FB7] =	sst s0;
	s0 =	simm.s32 @!p1 $0x0  }
0x14: {  	s2 =	sld [smem:$0x3F9B];
	s0 =	simm.s32 @p1 $0x1  }
0x15: {  	[smem:$0x3FB8] =	sst s0;
	s0 =	simm.s32 @!p2 $0x0  }
0x16: {  	s3 =	sld [smem:$0x3FDB];
	s0 =	simm.s32 @p2 $0x1  }
0x17: {  	s4 =	simm.s32 $0x1BF5;
	[smem:$0x3FBA] =	sst s0  }
0x18: {  	s0 =	sld [smem:$0x3F9D];
	_ =	swait.ge [sflag:s4], $0x0  }
0x19: {  	s7 =	sld [smem:$0x3F9E]  }
0x1a: {  	s8 =	sadd.s32 $0xFFFFE003, lr  }
0x1b: {  	s9 =	sadd.s32 $0xFFFFFEF7, lr;
	s5 =	simm.s32 $0xFFFFFFFF;
	p2 =	slt.u32 s8, $0xFFFFF086  }
0x1c: {  	p1 =	slt.u32 s9, $0xF7A;
	s5 =	simm.s32 @!p2 $0x0  }
0x1d: {  	s5 =	simm.s32 @p1 $0x1;
	p0 =	seq.s32 s7, s2  }
0x1e: {  	s7 =	smul.u32 @!p0 $0xF7A, s2;
	p2 =	seq.s32 @!p0 s5, $0x0  }
0x1f: {  	s9 =	smul.u32 $0xF7A, s1;
	s8 =	simm.s32 @!p0 $0x1BF5;
	p2 =	por !p2, p0  }
0x20: {  	[sflag:s8] =	ssyncset.s32 @!p0 $0xFFFFF086;
	s6 =	sadd.s32 @!p0 s3, s7;
	s7 =	simm.s32 @!p0 $0x108  }
0x21: {  	s3 =	sadd.s32 s3, s9;
	s6 =	sadd.s32 @!p0 $0x88, s6;
	s7 =	simm.s32 @p2 $0x1082  }
0x22: {  	[simem:s7], [sflag:s8] =	dma.local @!p0 [hbm:s6], $0xF7A  }
0x23: {  	s9 =	sor.u32 $0xD0000000, s2;
	s6 =	simm.s32 $0x108;
	_ =	swait.ge @!p0 [sflag:s8], $0x0  }
0x24: {  	s3 =	sadd.s32 $0x88, s3;
	s6 =	simm.s32 @!p1 $0x1082;
	[sflag:s4] =	ssyncset.s32 $0xFFFFF086  }
0x25: {  	[simem:s6], [sflag:s4] =	dma.local [hbm:s3], $0xF7A  }
0x26: {  	[smem:$0x3F9E] =	sst s1;
	(tag) =	ssettag s2;
	_ =	strace s9  }
0x27: {  	s1 =	sld [smem:$0x3FAE]  }
0x28: {  	s2 =	sld [smem:$0x3FAF]  }
0x29: {  	s4 =	sld [smem:$0x3FB1]  }
0x2a: {  	p0 =	seq.s32 s5, $0x0;
	s5 =	sld [smem:$0x3FB2]  }
0x2b: {  	s6 =	sld [smem:$0x3FB3]  }
0x2c: {  	s7 =	sld [smem:$0x3FB4]  }
0x2d: {  	s3 =	simm.s32 $0x108;
	s8 =	sld [smem:$0x3FB5]  }
0x2e: {  	s3 =	simm.s32 @!p0 $0x1082;
	s9 =	sld [smem:$0x3FB6]  }
0x2f: {  	lr =	sadd.s32 s0, s3;
	s0 =	sld [smem:$0x3FAD]  }
0x30: {  	s3 =	sld [smem:$0x3FB0]  }
0x31: {  	[smem:$0x3FB9] =	sst s10  }
0x32: {  	s10 =	sld [smem:$0x3FB7];
	_ =	sdelay $0x3  }
0x33: {  	p0 =	seq.s32 s10, $0x1;
	s10 =	sld [smem:$0x3FB9];
	_ =	sdelay $0x3  }
0x34: {  	[smem:$0x3FB9] =	sst s10  }
0x35: {  	s10 =	sld [smem:$0x3FB8];
	_ =	sdelay $0x3  }
0x36: {  	p1 =	seq.s32 s10, $0x1;
	s10 =	sld [smem:$0x3FB9];
	_ =	sdelay $0x3  }
0x37: {  	[smem:$0x3FB9] =	sst s10  }
0x38: {  	s10 =	sld [smem:$0x3FBA]  }
0x39: {  	_ = 	snop;
	(pc) =	sbr.ind lr, $3  }
0x3a: {  	_ = 	snop  }
0x3b: {  	_ = 	snop  }
0x3c: {  	p2 =	seq.s32 s10, $0x1;
	s10 =	sld [smem:$0x3FB9]  }
0x3d: {  	_ =	shalt  }
0x3e: {  	_ =	shalt  }
0x3f: {  	_ =	shalt  }
0x40: {  	_ =	shalt  }
0x41: {  	_ =	shalt  }
0x42: {  	_ =	shalt  }
0x43: {  	_ =	shalt  }
0x44: {  	_ =	shalt  }
0x45: {  	_ =	shalt  }
0x46: {  	_ =	shalt  }
0x47: {  	_ =	shalt  }
0x48: {  	_ =	shalt  }
0x49: {  	_ =	shalt  }
0x4a: {  	_ =	shalt  }
0x4b: {  	_ =	shalt  }
0x4c: {  	_ =	shalt  }
0x4d: {  	_ =	shalt  }
0x4e: {  	_ =	shalt  }
0x4f: {  	_ =	shalt  }
0x50: {  	_ =	shalt  }
0x51: {  	_ =	shalt  }
0x52: {  	_ =	shalt  }
0x53: {  	_ =	shalt  }
0x54: {  	_ =	shalt  }
0x55: {  	_ =	shalt  }
0x56: {  	_ =	shalt  }
0x57: {  	_ =	shalt  }
0x58: {  	_ =	shalt  }
0x59: {  	_ =	shalt  }
0x5a: {  	_ =	shalt  }
0x5b: {  	_ =	shalt  }
0x5c: {  	_ =	shalt  }
0x5d: {  	_ =	shalt  }
0x5e: {  	_ =	shalt  }
0x5f: {  	_ =	shalt  }
0x60: {  	_ =	shalt  }
0x61: {  	_ =	shalt  }
0x62: {  	_ =	shalt  }
0x63: {  	_ =	shalt  }
0x64: {  	_ =	shalt  }
0x65: {  	_ =	shalt  }
0x66: {  	_ =	shalt  }
0x67: {  	_ =	shalt  }
0x68: {  	_ =	shalt  }
0x69: {  	_ =	shalt  }
0x6a: {  	_ =	shalt  }
0x6b: {  	_ =	shalt  }
0x6c: {  	_ =	shalt  }
0x6d: {  	_ =	shalt  }
0x6e: {  	_ =	shalt  }
0x6f: {  	_ =	shalt  }
0x70: {  	_ =	shalt  }
0x71: {  	_ =	shalt  }
0x72: {  	_ =	shalt  }
0x73: {  	_ =	shalt  }
0x74: {  	_ =	shalt  }
0x75: {  	_ =	shalt  }
0x76: {  	_ =	shalt  }
0x77: {  	_ =	shalt  }
0x78: {  	_ =	shalt  }
0x79: {  	_ =	shalt  }
0x7a: {  	_ =	shalt  }
0x7b: {  	_ =	shalt  }
0x7c: {  	_ =	shalt  }
0x7d: {  	_ =	shalt  }
0x7e: {  	_ =	shalt  }
0x7f: {  	_ =	shalt  }
0x80: {  	_ =	shalt  }
0x81: {  	_ =	shalt  }
0x82: {  	_ =	shalt  }
0x83: {  	_ =	shalt  }
0x84: {  	_ =	shalt  }
0x85: {  	_ =	shalt  }
0x86: {  	_ =	shalt  }
0x87: {  	_ =	shalt  }
.Lfunc_end0:
.L_simem_size_0:
called_computation_lowered:
.L_overlay_start_0:
0x88: {  	s2 =	sld [smem:$0x3FD9]  }
0x89: {  	s3 =	sld [smem:$0x3FFE];
	_ =	sdelay $0x1  }
0x8a: {  	s1 =	srdreg.scid  }
0x8b: {  	s0 =	sand.u32 $0x1, s1  }
0x8c: {  	s17 =	sshll.u32 s0, $0xA;
	s2 =	sadd.s32 s3, s2  }
0x8d: {  	s2 =	sadd.s32 s2, s17  }
0x8e: {  	[smem:$0x3FC5] =	sst s2  }
0x8f: {  	_ = 	snop  }
0x90: {  	s2 =	sld [smem:$0x3FD0];
	(tm) =	ssettm $0x1  }
0x91: {  	s18 =	sld [smem:$0x3FFB];
	_ =	sdelay $0x3  }
0x92: {  	_ =	strace s18  }
0x93: {  	s3 =	sld [smem:$0x3FFC];
	_ =	sdelay $0x3  }
0x94: {  	_ =	strace s3  }
0x95: {  	s3 =	sld [smem:$0x3FFD];
	_ =	sdelay $0x3  }
0x96: {  	_ =	strace s3  }
0x97: {  	_ =	strace $0x8FFFFFFF  }
0x98: {  	s19 =	sld [smem:$0x3FDB];
	_ =	sdelay $0x1  }
0x99: {  	s4 =	simm.s32 $_scs_section_size  }
0x9a: {  	s5 =	simm.s32 $_size__tile_overlayer_lowered;
	s6 =	simm.s32 $_tile_overlayer_lowered  }
0x9b: {  	s22 =	simm.s32 $0x1BFF;
	s21 =	sshll.u32 s6, $0x1;
	s3 =	sadd.s32 s4, s19  }
0x9c: {  	s7 =	simm.s32 $0x0;
	s20 =	sshll.u32 s5, $0x1;
	s5 =	sadd.s32 s21, s3  }
0x9d: {  	[timem:s7], [sflag:s22] =	dma.local [hbm:s5], s20  }
0x9e: {  	_ =	swait.ge [sflag:s22], s20  }
0x9f: {  	s4 =	ssub.s32 $0x0, s20;
	[sflag:s22] =	ssyncset.done $0x0  }
0xa0: {  	[sflag:s22] =	ssyncadd.s32 s4;
	_ =	sdelay $0x1  }
0xa1: {  	s23 =	simm.s32 $0x1B8B  }
0xa2: {  	_ =	swait.ge [sflag:s23], $0x1  }
0xa3: {  	[sflag:s23] =	ssyncset.done $0x0  }
0xa4: {  	s25 =	simm.s32 $0x1B8E;
	s24 =	sld [smem:$0x3FFE];
	[sflag:s23] =	ssyncadd.s32 $0xFFFFFFFF  }
0xa5: {  	s26 =	simm.s32 $execute0_lowered;
	[smem:$0x3FD2] =	sst s25  }
0xa6: {  	s5 =	sshll.u32 s26, $0x1;
	_ =	strace $0x80000046;
	[dreg:$0x1] =	wrdreg $0xFFFFFFFF  }
0xa7: {  	s28 =	simm.s32 $_size_execute0_lowered;
	s3 =	sadd.s32 s3, s5;
	[dreg:$0x0] =	wrdreg $0x0  }
0xa8: {  	s5 =	sshll.u32 s28, $0x1;
	[dreg:$0x2] =	wrdreg s3  }
0xa9: {  	[dreg:$0x3] =	wrdreg s5  }
0xaa: {  	[dreg:$0x4] =	wrdreg $0xC0  }
0xab: {  	_ =	task [dreg:s7], $0x5FFFF  }
0xac: {  	[dreg:$0x1] =	wrdreg $0xFFFFFFFF  }
0xad: {  	[dreg:$0x0] =	wrdreg $0x60  }
0xae: {  	[dreg:$0x2] =	wrdreg s24  }
0xaf: {  	[dreg:$0x3] =	wrdreg s2  }
0xb0: {  	[dreg:$0x4] =	wrdreg $0x9  }
0xb1: {  	_ =	task.clear_ibuf [dreg:s7], $0x5FFFF;
	_ =	strace $0x90000046  }
0xb2: {  	s29 =	simm.s32 $0x9;
	_ =	strace $0x80000048  }
0xb3: {  	_ =	swait.ge [sflag:s29], $0x1  }
0xb4: {  	[sflag:s29] =	ssyncadd.s32 $0xFFFFFFFF  }
0xb5: {  	_ =	strace $0x90000048  }
0xb6: {  	_ =	sfence  }
0xb7: {  	s30 =	sld [smem:$0x0];
	_ =	sdelay $0x2  }
0xb8: {  	s31 =	sshll.u32 s1, $0xD;
	s1 =	sshrl.u32 s1, $0x2  }
0xb9: {  	s3 =	sand.u32 $0x4000, s31;
	s1 =	sadd.s32 s1, s30  }
0xba: {  	s0 =	sor.u32 s3, s0;
	s1 =	sshll.u32 s1, $0x11  }
0xbb: {  	s0 =	sor.u32 s1, s0  }
0xbc: {  	s0 =	sadd.s32 $0x8F2B, s0  }
0xbd: {  	[sflag:s0] =	ssyncadd.remote.s32 $0x1  }
0xbe: {  	_ =	sfence.sel $0xFFFF  }
0xbf: {  	[dreg:$0x0] =	wrdreg $0xFFFFFFFF;
	(pc) =	sbr.abs _section_cstart, $3  }
0xc0: {  	[dreg:$0x1] =	wrdreg $0xFFFFFFFF  }
0xc1: {  	_ =	task.clear_ibuf [dreg:s7], $0x2FFFF;
	_ =	strace $0x9FFFFFFF  }
0xc2: {  	(tm) =	ssettm $0x7FFFFFFF  }
0xc3: {  	_ =	shalt  }
tec
execute0_lowered:
.L_overlay_start_1:
0x0: {  	(tag) =	ssettag $0x1  }
0x1: {  	s2 =	srdreg.scid  }
0x2: {  	s0 =	rddreg [dreg:$0x0];
	s3 =	stileid.u32;
	s2 =	sand.u32 $0x1, s2  }
0x3: {  	s5 =	simm.s32 $0x0;
	s3 =	sshll.u32 s3, $0xA;
	s4 =	sshll.u32 s2, $0x9  }
0x4: {  	[smem:$0x7FF] =	sst s5;
	s3 =	sor.u32 s4, s3  }
0x5: {  	s1 =	rddreg [dreg:$0x1];
	_ =	strace $0x80000047;
	s4 =	sshrl.u32 s3, $0x3  }
0x6: {  	s30 =	sshll.u32 s3, $0x4;
	s4 =	sadd.s32 s4, s0;
	s0 =	sadd.s32 $0x1A00, s0  }
0x7: {  	v0 =	vimm.s32 $0xECA86420;
	s2 =	ssub.s32 $0x2, s2;
	s1 =	sadd.s32 s1, s30;
	[smem:$0x7F9] =	sst s0  }
0x8: {  	vm6 =	vcmask $0xB08;
	vm2 =	vcmask $0x1B18;
	vm4 =	vcmask $0x300;
	s28 =	sshrl.u32 s2, $0x1;
	s29 =	sadd.s32 $0xA00, s4;
	[smem:$0x7FC] =	sst s1  }
0x9: {  	v2 =	vlaneseq.u32;
	vm10 =	vmmov $0xff;
	v0 =	vunpack.c.l.s4.s8 v0;
	s0 =	ssub.s32 s2, s28;
	s31 =	sadd.s32 $0x1200, s4;
	[smem:$0x7FA] =	sst s29  }
0xa: {  	vm8 =	vcmask $0x704;
	vm3 =	vcmask $0xF0C;
	vm9 =	vcmask $0x1714;
	s3 =	simm.s32 $0x0;
	[smem:$0x7FB] =	sst s31;
	s0 =	smax.u32 s0, $0x1  }
0xb: {  	v1 =	vmul.u32 $0x2, v2;
	v2 =	vmul.u32 $0x80, v2;
	v0 =	vunpack.c.0.s8.s32 v0;
	s1 =	simm.s32 $0x2;
	s2 =	simm.s32 $0x200;
	[smem:$0x7FD] =	sst s0  }
.LBB2_1:
0xc: {  	s0 =	sld [smem:$0x7FA];
	_ =	sdelay $0x1  }
0xd: {  	[smem:$0x7F8] =	sst s3  }
0xe: {  	[tilespmem:s5], [sflag:$0x2] =	stream.linear.gather [hbm4b:s0+s5], $0x200, $0x38;
	[tilespmem:$0x10800] =	vst v63  }
0xf: {  	_ =	swait.ge [sflag:s1], $0x200  }
0x10: {  	s24 =	sld [smem:$0x7FB]  }
0x11: {  	[sflag:s1] =	ssyncset.done $0x0  }
0x12: {  	[sflag:s1] =	ssyncadd.s32 $0xFFFFFE00  }
0x13: {  	[tilespmem:s2], [sflag:$0x2] =	stream.linear.gather [hbm4b:s24+s5], $0x200, $0x38;
	[tilespmem:$0x10800] =	vst v63  }
0x14: {  	_ =	swait.ge [sflag:s1], $0x200  }
0x15: {  	[sflag:s1] =	ssyncset.done $0x0  }
0x16: {  	s29 =	simm.s32 $0x0;
	[sflag:s1] =	ssyncadd.s32 $0xFFFFFE00  }
0x17: {  	v3 =	vld [tilespmem:s29+$0x200];
	_ =	sdelay $0x4  }
0x18: {  	(v2sf) =	vpush v3, $0xF  }
0x19: {  	(v2sf) =	vpush v3, $0xB;
	_ =	sdelay $0x1  }
0x1a: {  	(v2sf) =	vpush v3, $0x6;
	_ =	sdelay $0x1  }
0x1b: {  	(v2sf) =	vpush v3, $0xE  }
0x1c: {  	(v2sf) =	vpush v3, $0xA;
	_ =	sdelay $0x1  }
0x1d: {  	(v2sf) =	vpush v3, $0xD;
	_ =	sdelay $0x1  }
0x1e: {  	(v2sf) =	vpush v3, $0x9;
	_ =	sdelay $0x1  }
0x1f: {  	(v2sf) =	vpush v3, $0x5;
	_ =	sdelay $0x1  }
0x20: {  	(v2sf) =	vpush v3, $0xC  }
0x21: {  	s25 =	spop (v2sf)  }
0x22: {  	(v2sf) =	vpush v3, $0x8;
	s26 =	spop (v2sf);
	s30 =	smulhi.u32 $0x66666667, s25  }
0x23: {  	s1 =	sshra.s32 s25, $0x1F;
	s4 =	smulhi.u32 $0x66666667, s26  }
0x24: {  	(v2sf) =	vpush v3, $0x4;
	s0 =	spop (v2sf);
	s1 =	smul.u32 $0x66666667, s1  }
0x25: {  	s2 =	sshra.s32 s26, $0x1F;
	s28 =	smulhi.u32 $0x66666667, s0  }
0x26: {  	(v2sf) =	vpush v3, $0x3;
	s31 =	spop (v2sf);
	s23 =	smul.u32 $0x66666667, s2  }
0x27: {  	s6 =	smulhi.u32 $0x66666667, s31;
	s7 =	spop (v2sf)  }
0x28: {  	s5 =	sshra.s32 s31, $0x1F;
	s9 =	smulhi.u32 $0x66666667, s7  }
0x29: {  	(v2sf) =	vpush v3, $0x2;
	s8 =	spop (v2sf);
	s5 =	smul.u32 $0x66666667, s5  }
0x2a: {  	(v2sf) =	vpush v3, $0x1;
	s7 =	sshra.s32 s7, $0x1F;
	s10 =	smulhi.u32 $0x66666667, s8  }
0x2b: {  	s11 =	spop (v2sf);
	s24 =	smul.u32 $0x66666667, s7  }
0x2c: {  	(v2sf) =	vpush v3, $0x0;
	s8 =	sshra.s32 s8, $0x1F;
	s12 =	smulhi.u32 $0x66666667, s11  }
0x2d: {  	s13 =	spop (v2sf);
	s7 =	smul.u32 $0x66666667, s8  }
0x2e: {  	(v2sf) =	vpush v3, $0x7;
	s11 =	sshra.s32 s11, $0x1F;
	s14 =	smulhi.u32 $0x66666667, s13  }
0x2f: {  	s15 =	spop (v2sf);
	s11 =	smul.u32 $0x66666667, s11  }
0x30: {  	s25 =	sshra.s32 s13, $0x1F;
	s16 =	smulhi.u32 $0x66666667, s15  }
0x31: {  	s17 =	spop (v2sf);
	s13 =	smul.u32 $0x66666667, s25  }
0x32: {  	s26 =	sshra.s32 s15, $0x1F;
	s18 =	smulhi.u32 $0x66666667, s17  }
0x33: {  	s19 =	spop (v2sf);
	s25 =	smul.u32 $0x66666667, s26  }
0x34: {  	s2 =	sadd.s32 s1, s30;
	s30 =	sshra.s32 s17, $0x1F;
	s21 =	smulhi.u32 $0x66666667, s19  }
0x35: {  	s8 =	sadd.s32 s5, s6;
	s20 =	spop (v2sf);
	s5 =	smul.u32 $0x66666667, s30  }
0x36: {  	s4 =	sadd.s32 s23, s4;
	s31 =	sshra.s32 s19, $0x1F;
	s22 =	smulhi.u32 $0x66666667, s20  }
0x37: {  	s23 =	sadd.s32 s7, s10;
	s7 =	smul.u32 $0x66666667, s31;
	s30 =	sshra.s32 s20, $0x1F  }
0x38: {  	s12 =	sadd.s32 s11, s12;
	s11 =	smul.u32 $0x66666667, s30;
	s15 =	spop (v2sf)  }
0x39: {  	s1 =	spop (v2sf);
	s26 =	smulhi.u32 $0x66666667, s15  }
0x3a: {  	s6 =	sadd.s32 s24, s9;
	s15 =	sshra.s32 s15, $0x1F;
	s17 =	smulhi.u32 $0x66666667, s1  }
0x3b: {  	s3 =	sadd.s32 s13, s14;
	s9 =	spop (v2sf);
	s13 =	smul.u32 $0x66666667, s15  }
0x3c: {  	s1 =	sshra.s32 s1, $0x1F;
	s19 =	smulhi.u32 $0x66666667, s9  }
0x3d: {  	s15 =	sadd.s32 s5, s18;
	s24 =	spop (v2sf);
	s18 =	smul.u32 $0x66666667, s1  }
0x3e: {  	s0 =	sshra.s32 s0, $0x1F;
	s31 =	smulhi.u32 $0x66666667, s24;
	s24 =	sshra.s32 s24, $0x1F  }
0x3f: {  	s14 =	sadd.s32 s25, s16;
	s25 =	sshra.s32 s9, $0x1F;
	s10 =	smul.u32 $0x66666667, s24  }
0x40: {  	s20 =	sshrl.u32 s14, $0x1F;
	s14 =	sshra.s32 s14, $0x2;
	s30 =	smul.u32 $0x66666667, s25  }
0x41: {  	s5 =	sadd.s32 s7, s21;
	s1 =	smul.u32 $0x66666667, s0;
	s0 =	sadd.s32 s10, s31  }
0x42: {  	s31 =	sadd.s32 s30, s19;
	s10 =	sadd.s32 s18, s17;
	s18 =	sshra.s32 s0, $0x1F  }
0x43: {  	s7 =	sadd.s32 s11, s22;
	s22 =	sshrl.u32 s15, $0x1F;
	s21 =	sshra.s32 s31, $0x2;
	v4 =	vmov s18  }
0x44: {  	v6 =	vmov s20;
	v5 =	vmov s14;
	s9 =	sadd.s32 s13, s26;
	s25 =	sshra.s32 s15, $0x2;
	s24 =	sshra.s32 s31, $0x1F;
	v4 =	vsel vm4, s21, v4  }
0x45: {  	v9 =	vmov s22;
	v7 =	vmov s25;
	s19 =	sshrl.u32 s23, $0x1F;
	s11 =	sshrl.u32 s31, $0x1F;
	s26 =	sshra.s32 s10, $0x2;
	v8 =	vsel vm8, s24, v4  }
0x46: {  	s14 =	simm.s32 $0x40;
	s30 =	sshrl.u32 s12, $0x1F;
	s31 =	sshra.s32 s10, $0x1F;
	v4 =	vmov s11;
	v10 =	vsel vm6, s26, v8;
	v8 =	vsel vm6, s19, v6  }
0x47: {  	s13 =	sshra.s32 s9, $0x2;
	s12 =	sshra.s32 s12, $0x2;
	s11 =	sshra.s32 s23, $0x2;
	v6 =	vsel vm6, s30, v9;
	v9 =	vsel vm3, s31, v10;
	vm3 =	vcmask $0x1310  }
.LBB2_2:
0x48: {  	s20 =	sshrl.u32 s8, $0x1F;
	v5 =	vsel vm6, s11, v5;
	v7 =	vsel vm6, s12, v7;
	v9 =	vsel vm3, s13, v9  }
0x49: {  	s21 =	sshra.s32 s9, $0x1F;
	s22 =	sshrl.u32 s6, $0x1F;
	vm1 =	vmmov vm6;
	vm6 =	vcmask $0x300;
	s23 =	sshra.s32 s8, $0x2;
	v8 =	vsel vm3, s20, v8  }
0x4a: {  	s24 =	sshra.s32 s7, $0x2;
	s25 =	sshra.s32 s6, $0x2;
	v9 =	vsel vm9, s21, v9;
	v6 =	vsel vm3, s22, v6;
	v5 =	vsel vm3, s23, v5  }
0x4b: {  	s26 =	sshra.s32 s7, $0x1F;
	v7 =	vsel vm3, s25, v7;
	vm3 =	vcmask $0x1F1C;
	v9 =	vsel vm2, s24, v9  }
0x4c: {  	[dreg:$0x3] =	wrdreg s14;
	p0 =	sne.s32 s14, $0x7C0;
	s8 =	sshra.s32 s5, $0x2;
	vm5 =	vcmask $0x2320;
	vm0 =	vcmask $0x1310;
	v9 =	vsel vm3, s26, v9  }
0x4d: {  	s10 =	sshrl.u32 s10, $0x1F;
	s30 =	sshrl.u32 s2, $0x1F;
	s11 =	sshra.s32 s5, $0x1F;
	vm14 =	vcmask $0x2724;
	vm11 =	vcmask $0x2B28;
	v9 =	vsel vm5, s8, v9  }
0x4e: {  	s31 =	sshrl.u32 s4, $0x1F;
	s14 =	sshra.s32 s3, $0x2;
	vm15 =	vcmask $0x2F2C;
	v4 =	vnsel vm6, $0x0, v4;
	s17 =	rddreg [dreg:$0x3];
	v9 =	vsel vm14, s11, v9  }
0x4f: {  	s13 =	sshra.s32 s4, $0x2;
	s16 =	sshra.s32 s3, $0x1F;
	v8 =	vsel vm2, s30, v8;
	v6 =	vsel vm2, s31, v6;
	s4 =	sshra.s32 s17, $0x2;
	v9 =	vsel vm11, s14, v9  }
0x50: {  	s9 =	sshrl.u32 s9, $0x1F;
	v4 =	vsel vm1, s10, v4;
	v6 =	vcombine.low v6, v8;
	v8 =	vsel vm15, s16, v9;
	v9 =	vld [tilespmem:s4+$0x200]  }
0x51: {  	s12 =	sshrl.u32 s7, $0x1F;
	vm7 =	vcmask $0x3330;
	vm13 =	vcmask $0x3734;
	s10 =	sshra.s32 s2, $0x2;
	v4 =	vsel vm0, s9, v4  }
0x52: {  	s15 =	sshrl.u32 s5, $0x1F;
	s1 =	sadd.s32 s1, s28;
	v7 =	vsel vm2, s13, v7;
	v5 =	vsel vm2, s10, v5;
	v4 =	vsel vm2, s12, v4  }
0x53: {  	s18 =	sshrl.u32 s3, $0x1F;
	vm4 =	vcmask $0x3B38;
	s19 =	sshra.s32 s1, $0x2;
	v5 =	vcombine.low v7, v5;
	v4 =	vsel vm5, s15, v4  }
0x54: {  	s20 =	sshrl.u32 s1, $0x1F;
	s1 =	sshra.s32 s1, $0x1F;
	v6 =	vperm.xlane v6, v0;
	v4 =	vsel vm11, s18, v4;
	v7 =	vsel vm7, s19, v8  }
0x55: {  	s21 =	sshrl.u32 s0, $0x1F;
	s22 =	sshra.s32 s0, $0x2;
	v4 =	vsel vm7, s20, v4;
	v7 =	vsel vm13, s1, v7;
	(v2sf) =	vpush v9, $0xF  }
0x56: {  	v5 =	vperm.xlane v5, v0;
	v4 =	vsel vm4, s21, v4;
	v7 =	vsel vm4, s22, v7  }
0x57: {  	v4 =	vperm.xlane v4, v1;
	v7 =	vperm.xlane v7, v1;
	(v2sf) =	vpush v9, $0xB  }
0x58: {  	(v2sf) =	vpush v9, $0x6  }
0x59: {  	v4 =	vsel vm10, v4, v6;
	v5 =	vsel vm10, v7, v5  }
0x5a: {  	v4 =	vadd.s32 v4, v5;
	(v2sf) =	vpush v9, $0xE  }
0x5b: {  	v4 =	vmul.u32 $0xA, v4  }
0x5c: {  	(v2sf) =	vpush v9, $0xA  }
0x5d: {  	vm12 =	vmmov vm9;
	v5 =	vld [tilespmem:s29+$0x0];
	v4 =	vsub.s32 v3, v4;
	(v2sf) =	vpush v9, $0xD  }
0x5e: {  	vm9 =	vlt.s32 v4, $0x0;
	v6 =	vadd.s32 $0xA, v4;
	(v2sf) =	vpush v9, $0x9  }
0x5f: {  	v4 =	vsel vm9, v6, v4;
	v6 =	vmul.u32 $0x1279, v3;
	v3 =	vmov v9  }
0x60: {  	(v2sf) =	vpush v3, $0x5  }
0x61: {  	v4 =	vmul.u32 $0x186A0, v4  }
0x62: {  	(v2sf) =	vpush v3, $0xC;
	v5 =	vadd.s32 v6, v5  }
0x63: {  	(v2sf) =	vpush v3, $0x8;
	v4 =	vadd.s32 v4, v5  }
0x64: {  	[dreg:$0x4] =	wrdreg s4;
	(v2sf) =	vpush v4, $0xF;
	s23 =	spop (v2sf)  }
0x65: {  	(v2sf) =	vpush v4, $0xB;
	[dreg:$0x14] =	wrdreg s23  }
0x66: {  	s0 =	smulhi.u32 $0x66666667, s23;
	s24 =	spop (v2sf)  }
0x67: {  	(v2sf) =	vpush v4, $0x6;
	[dreg:$0x16] =	wrdreg s24;
	s25 =	spop (v2sf)  }
0x68: {  	[dreg:$0x6] =	wrdreg s0;
	s0 =	smulhi.u32 $0x66666667, s24  }
0x69: {  	(v2sf) =	vpush v4, $0xE;
	[dreg:$0x11] =	wrdreg s25;
	s26 =	spop (v2sf)  }
0x6a: {  	(v2sf) =	vpush v4, $0xA;
	[dreg:$0x13] =	wrdreg s26  }
0x6b: {  	s30 =	spop (v2sf);
	[dreg:$0x5] =	wrdreg s0  }
0x6c: {  	s0 =	smulhi.u32 $0x66666667, s25;
	s31 =	spop (v2sf)  }
0x6d: {  	(v2sf) =	vpush v4, $0xD;
	[dreg:$0xf] =	wrdreg s30;
	s1 =	spop (v2sf)  }
0x6e: {  	[dreg:$0x1a] =	wrdreg s0;
	s0 =	smulhi.u32 $0x66666667, s26  }
0x6f: {  	(v2sf) =	vpush v4, $0x9;
	[dreg:$0x17] =	wrdreg s31;
	s2 =	spop (v2sf)  }
0x70: {  	[dreg:$0x7] =	wrdreg s0;
	s0 =	smulhi.u32 $0x66666667, s30  }
0x71: {  	[dreg:$0x15] =	wrdreg s1;
	s3 =	spop (v2sf)  }
0x72: {  	(v2sf) =	vpush v4, $0x5;
	s4 =	spop (v2sf);
	[dreg:$0x8] =	wrdreg s0  }
0x73: {  	s0 =	smulhi.u32 $0x66666667, s31;
	s5 =	spop (v2sf)  }
0x74: {  	(v2sf) =	vpush v4, $0xC;
	s12 =	smulhi.u32 $0x431BDE83, s5;
	s13 =	spop (v2sf)  }
0x75: {  	(v2sf) =	vpush v4, $0x8;
	[dreg:$0x9] =	wrdreg s0;
	s0 =	smulhi.u32 $0x66666667, s1  }
0x76: {  	s7 =	smulhi.u32 $0x431BDE83, s13;
	s8 =	spop (v2sf)  }
0x77: {  	[dreg:$0x1e] =	wrdreg s12;
	s10 =	smulhi.u32 $0x431BDE83, s8  }
0x78: {  	s11 =	spop (v2sf);
	[dreg:$0xa] =	wrdreg s0  }
0x79: {  	(v2sf) =	vpush v4, $0x4;
	s0 =	smulhi.u32 $0x66666667, s2;
	s12 =	spop (v2sf)  }
0x7a: {  	(v2sf) =	vpush v4, $0x3;
	[dreg:$0x10] =	wrdreg s2;
	s2 =	sshra.s32 s5, $0x1F;
	s18 =	smulhi.u32 $0x431BDE83, s12  }
0x7b: {  	(v2sf) =	vpush v4, $0x2;
	[dreg:$0x12] =	wrdreg s3;
	s5 =	sshra.s32 s13, $0x1F;
	s14 =	smul.u32 $0x431BDE83, s2  }
0x7c: {  	(v2sf) =	vpush v4, $0x1;
	s21 =	spop (v2sf);
	s13 =	smul.u32 $0x431BDE83, s5  }
0x7d: {  	[dreg:$0xb] =	wrdreg s0;
	s0 =	smulhi.u32 $0x66666667, s3  }
0x7e: {  	(v2sf) =	vpush v4, $0x0;
	s22 =	smulhi.u32 $0x431BDE83, s21;
	s26 =	spop (v2sf)  }
0x7f: {  	[dreg:$0xe] =	wrdreg s4;
	(v2sf) =	vpush v4, $0x7;
	s20 =	smulhi.u32 $0x431BDE83, s26  }
0x80: {  	[dreg:$0xc] =	wrdreg s0;
	s0 =	smulhi.u32 $0x66666667, s4  }
0x81: {  	s28 =	spop (v2sf);
	s4 =	smulhi.u32 $0x431BDE83, s11  }
0x82: {  	[dreg:$0x1f] =	wrdreg s7;
	s7 =	sshra.s32 s8, $0x1F;
	s23 =	smulhi.u32 $0x431BDE83, s28  }
0x83: {  	s8 =	sshra.s32 s11, $0x1F;
	s30 =	spop (v2sf);
	s11 =	smul.u32 $0x431BDE83, s7  }
0x84: {  	s25 =	smulhi.u32 $0x431BDE83, s30;
	s31 =	spop (v2sf)  }
0x85: {  	[dreg:$0xd] =	wrdreg s0;
	s24 =	smulhi.u32 $0x431BDE83, s31  }
0x86: {  	s12 =	sshra.s32 s12, $0x1F;
	[dreg:$0x1b] =	wrdreg s11;
	s11 =	smul.u32 $0x431BDE83, s8  }
0x87: {  	s21 =	sshra.s32 s21, $0x1F;
	[smem:$0x7F7] =	sst s4;
	s8 =	smul.u32 $0x431BDE83, s12  }
0x88: {  	s26 =	sshra.s32 s26, $0x1F;
	s9 =	spop (v2sf);
	s12 =	smul.u32 $0x431BDE83, s21  }
0x89: {  	s21 =	smul.u32 $0x431BDE83, s26;
	s1 =	spop (v2sf)  }
0x8a: {  	s15 =	smulhi.u32 $0x431BDE83, s9;
	s3 =	spop (v2sf);
	(v2sf) =	vpush v3, $0x4  }
0x8b: {  	s0 =	sshra.s32 s28, $0x1F;
	s6 =	smulhi.u32 $0x431BDE83, s1;
	s4 =	spop (v2sf);
	(v2sf) =	vpush v3, $0x3  }
0x8c: {  	[dreg:$0x19] =	wrdreg s10;
	s28 =	sshra.s32 s30, $0x1F;
	s30 =	smul.u32 $0x431BDE83, s0  }
0x8d: {  	[dreg:$0x1c] =	wrdreg s6;
	s6 =	spop (v2sf);
	(v2sf) =	vpush v3, $0x2  }
0x8e: {  	s26 =	smul.u32 $0x431BDE83, s28;
	s28 =	sshra.s32 s31, $0x1F;
	s10 =	spop (v2sf);
	(v2sf) =	vpush v3, $0x1  }
0x8f: {  	[dreg:$0x18] =	wrdreg s29;
	s9 =	sshra.s32 s9, $0x1F;
	s7 =	smul.u32 $0x431BDE83, s28  }
0x90: {  	s1 =	sshra.s32 s1, $0x1F;
	s5 =	smul.u32 $0x431BDE83, s9;
	s12 =	sadd.s32 s12, s22  }
0x91: {  	s22 =	sld [smem:$0x7F7];
	s18 =	sadd.s32 s8, s18;
	s16 =	smulhi.u32 $0x431BDE83, s3  }
0x92: {  	s20 =	sadd.s32 s21, s20;
	s3 =	sshra.s32 s3, $0x1F;
	s28 =	smul.u32 $0x431BDE83, s1  }
0x93: {  	s26 =	sadd.s32 s26, s25;
	s8 =	sshrl.u32 s20, $0x1F;
	s20 =	sshra.s32 s20, $0x12  }
0x94: {  	s19 =	smulhi.u32 $0x431BDE83, s4;
	s4 =	sshra.s32 s4, $0x1F;
	s7 =	sadd.s32 s7, s24  }
0x95: {  	s15 =	sadd.s32 s5, s15;
	s24 =	sshrl.u32 s26, $0x1F;
	s17 =	smulhi.u32 $0x431BDE83, s6  }
0x96: {  	s26 =	sshra.s32 s26, $0x12;
	s6 =	sshra.s32 s6, $0x1F;
	s1 =	smul.u32 $0x431BDE83, s4  }
0x97: {  	s25 =	sshrl.u32 s7, $0x1F;
	s5 =	sshra.s32 s7, $0x12;
	s29 =	smulhi.u32 $0x431BDE83, s10  }
0x98: {  	s7 =	sshrl.u32 s12, $0x1F;
	s6 =	smul.u32 $0x431BDE83, s6;
	s0 =	sshra.s32 s10, $0x1F  }
0x99: {  	s10 =	rddreg [dreg:$0x1e];
	v7 =	vmov s25;
	s25 =	sshrl.u32 s18, $0x1F;
	s9 =	spop (v2sf)  }
0x9a: {  	v10 =	vmov s5;
	s5 =	sshra.s32 s18, $0x12;
	s18 =	sshra.s32 s15, $0x1F;
	s2 =	spop (v2sf)  }
0x9b: {  	s0 =	smul.u32 $0x431BDE83, s0;
	s1 =	sadd.s32 s1, s19;
	[dreg:$0x1d] =	wrdreg s2  }
0x9c: {  	s19 =	sshra.s32 s12, $0x12;
	s2 =	smul.u32 $0x431BDE83, s3;
	s31 =	spop (v2sf)  }
0x9d: {  	s3 =	sadd.s32 s14, s10;
	s14 =	rddreg [dreg:$0x1f];
	s4 =	spop (v2sf)  }
0x9e: {  	s10 =	sadd.s32 s13, s14;
	s13 =	sadd.s32 s11, s22;
	s11 =	sadd.s32 s0, s29  }
0x9f: {  	vm8 =	vcmask $0x704;
	vm0 =	vmmov vm10;
	s14 =	sadd.s32 s30, s23;
	s22 =	sadd.s32 s6, s17;
	s23 =	sshra.s32 s11, $0x1F  }
0xa0: {  	vm10 =	vcmask $0xF0C;
	v7 =	vsel vm1, s8, v7;
	s17 =	sshra.s32 s1, $0x1F;
	s8 =	sshrl.u32 s3, $0x1F;
	s6 =	sshra.s32 s22, $0x12;
	v5 =	vmov s23  }
0xa1: {  	vm9 =	vcmask $0x1310;
	(v2sf) =	vpush v3, $0x0;
	s16 =	sadd.s32 s2, s16;
	s30 =	sshra.s32 s22, $0x1F;
	s0 =	sshrl.u32 s22, $0x1F;
	v5 =	vsel vm6, s6, v5  }
0xa2: {  	v6 =	vmov s24;
	v8 =	vmov s26;
	s22 =	sshrl.u32 s13, $0x1F;
	s26 =	sshra.s32 s13, $0x12;
	s6 =	sshra.s32 s1, $0x12;
	v5 =	vsel vm8, s30, v5  }
0xa3: {  	v6 =	vsel vm1, s7, v6;
	v10 =	vsel vm1, s20, v10;
	s12 =	sshrl.u32 s10, $0x1F;
	s13 =	sshra.s32 s15, $0x12;
	s20 =	sshra.s32 s10, $0x12;
	v5 =	vsel vm1, s6, v5  }
0xa4: {  	v8 =	vsel vm1, s19, v8;
	(v2sf) =	vpush v3, $0x7;
	s21 =	sshra.s32 s16, $0x12;
	s23 =	rddreg [dreg:$0x1c];
	s24 =	sshra.s32 s16, $0x1F;
	v5 =	vsel vm10, s17, v5  }
0xa5: {  	v9 =	vmov s0;
	s16 =	sshrl.u32 s16, $0x1F;
	s7 =	sadd.s32 s28, s23;
	s28 =	rddreg [dreg:$0x1a];
	v5 =	vsel vm9, s21, v5;
	vm9 =	vcmask $0x1310  }
0xa6: {  	v9 =	vnsel vm6, $0x0, v9;
	s1 =	sshrl.u32 s1, $0x1F;
	s23 =	rddreg [dreg:$0x19];
	s30 =	sshra.s32 s7, $0x12;
	v6 =	vsel vm9, s22, v6;
	vm9 =	vcmask $0x1310  }
0xa7: {  	s19 =	sshrl.u32 s7, $0x1F;
	s6 =	sshra.s32 s7, $0x1F;
	s7 =	rddreg [dreg:$0x14];
	v5 =	vsel vm12, s24, v5;
	v7 =	vsel vm9, s25, v7;
	vm9 =	vcmask $0x1310  }
0xa8: {  	v9 =	vsel vm1, s1, v9;
	s17 =	sshra.s32 s3, $0x12;
	s10 =	sshra.s32 s7, $0x1F;
	s21 =	sshra.s32 s14, $0x12;
	v5 =	vsel vm2, s30, v5;
	v8 =	vsel vm9, s26, v8  }
0xa9: {  	s22 =	sshrl.u32 s15, $0x1F;
	s24 =	rddreg [dreg:$0x1b];
	s25 =	sshra.s32 s14, $0x1F;
	vm9 =	vcmask $0x1310;
	v5 =	vsel vm3, s6, v5;
	vm3 =	vcmask $0x1310  }
0xaa: {  	v7 =	vsel vm2, s12, v7;
	s6 =	sshra.s32 s11, $0x12;
	s12 =	rddreg [dreg:$0x16];
	v10 =	vsel vm9, s5, v10;
	v5 =	vsel vm5, s13, v5;
	s13 =	smulhi.u32 $0x66666667, s9  }
0xab: {  	v9 =	vsel vm3, s16, v9;
	v8 =	vsel vm2, s17, v8;
	s5 =	sshrl.u32 s11, $0x1F;
	s11 =	smulhi.u32 $0x66666667, s4;
	s17 =	rddreg [dreg:$0xf];
	v5 =	vsel vm14, s18, v5  }
0xac: {  	v6 =	vsel vm2, s8, v6;
	v9 =	vsel vm2, s19, v9;
	s18 =	smulhi.u32 $0x66666667, s31;
	s7 =	sshra.s32 s17, $0x1F;
	v5 =	vsel vm11, s21, v5;
	s21 =	rddreg [dreg:$0x1d]  }
0xad: {  	s26 =	sshrl.u32 s14, $0x1F;
	v6 =	vcombine.low v7, v6;
	v7 =	vsel vm5, s22, v9;
	s7 =	smul.u32 $0x66666667, s7;
	s22 =	rddreg [dreg:$0x15]  }
0xae: {  	s1 =	sshra.s32 s12, $0x1F;
	s14 =	smulhi.u32 $0x66666667, s21;
	s12 =	sshra.s32 s22, $0x1F  }
0xaf: {  	s3 =	sadd.s32 s24, s23;
	s21 =	sshra.s32 s21, $0x1F;
	s12 =	smul.u32 $0x66666667, s12  }
0xb0: {  	s30 =	sshra.s32 s3, $0x12;
	v5 =	vsel vm15, s25, v5;
	s8 =	spop (v2sf);
	s21 =	smul.u32 $0x66666667, s21  }
0xb1: {  	s2 =	sshrl.u32 s3, $0x1F;
	s3 =	sshra.s32 s3, $0x1F;
	v7 =	vsel vm11, s26, v7;
	v5 =	vsel vm7, s30, v5;
	s19 =	smulhi.u32 $0x66666667, s8  }
0xb2: {  	s26 =	rddreg [dreg:$0xe];
	v7 =	vsel vm7, s2, v7;
	v5 =	vsel vm13, s3, v5;
	s3 =	smul.u32 $0x66666667, s10  }
0xb3: {  	s15 =	rddreg [dreg:$0x11];
	s17 =	sshra.s32 s26, $0x1F;
	v7 =	vsel vm4, s5, v7;
	s5 =	smul.u32 $0x66666667, s1  }
0xb4: {  	v10 =	vsel vm2, s20, v10;
	s20 =	rddreg [dreg:$0x17];
	s22 =	sshra.s32 s9, $0x1F;
	s17 =	smul.u32 $0x66666667, s17  }
0xb5: {  	s4 =	sshra.s32 s4, $0x1F;
	s10 =	sshra.s32 s20, $0x1F;
	s20 =	smul.u32 $0x66666667, s22  }
0xb6: {  	v8 =	vcombine.low v10, v8;
	s2 =	spop (v2sf);
	s22 =	smul.u32 $0x66666667, s4  }
0xb7: {  	s23 =	rddreg [dreg:$0x10];
	s1 =	sshra.s32 s15, $0x1F;
	s0 =	smulhi.u32 $0x66666667, s2  }
0xb8: {  	s24 =	rddreg [dreg:$0x12];
	v6 =	vperm.xlane v6, v0;
	v8 =	vperm.xlane v8, v0;
	v5 =	vsel vm4, s6, v5;
	s1 =	smul.u32 $0x66666667, s1  }
0xb9: {  	s16 =	rddreg [dreg:$0x13];
	s15 =	sshra.s32 s23, $0x1F;
	v7 =	vperm.xlane v7, v1;
	s10 =	smul.u32 $0x66666667, s10;
	v5 =	vperm.xlane v5, v1  }
0xba: {  	s25 =	rddreg [dreg:$0x18];
	s23 =	sshra.s32 s31, $0x1F;
	s15 =	smul.u32 $0x66666667, s15  }
0xbb: {  	s30 =	rddreg [dreg:$0x4];
	s8 =	sshra.s32 s8, $0x1F;
	s9 =	smul.u32 $0x66666667, s23;
	v6 =	vsel vm0, v7, v6;
	v5 =	vsel vm0, v5, v8  }
0xbc: {  	s29 =	smov.u32 s30;
	s6 =	sshra.s32 s16, $0x1F;
	s23 =	smul.u32 $0x66666667, s8;
	v5 =	vadd.s32 v6, v5  }
0xbd: {  	s30 =	rddreg [dreg:$0x7];
	s16 =	sshra.s32 s24, $0x1F;
	s6 =	smul.u32 $0x66666667, s6;
	v5 =	vmul.u32 $0xF4240, v5  }
0xbe: {  	s31 =	rddreg [dreg:$0x8];
	s24 =	sshra.s32 s2, $0x1F;
	s16 =	smul.u32 $0x66666667, s16  }
0xbf: {  	s4 =	rddreg [dreg:$0x5];
	s26 =	smul.u32 $0x66666667, s24;
	v4 =	vsub.s32 v4, v5  }
0xc0: {  	s4 =	sadd.s32 s5, s4;
	s5 =	rddreg [dreg:$0x9];
	s9 =	sadd.s32 s9, s18;
	vm9 =	vlt.s32 v4, $0x0;
	v5 =	vadd.s32 $0xF4240, v4  }
0xc1: {  	s8 =	sadd.s32 s6, s30;
	s6 =	sadd.s32 s7, s31;
	s7 =	rddreg [dreg:$0xa];
	v4 =	vsel vm9, v5, v4  }
0xc2: {  	s0 =	sadd.s32 s26, s0;
	s26 =	sadd.s32 s23, s19;
	s12 =	sadd.s32 s12, s7;
	[tilespmem:s25+$0x400] =	vst v4;
	v4 =	vand.u32 $0x3FFFF, v4  }
0xc3: {  	s7 =	sadd.s32 s21, s14;
	s30 =	sshra.s32 s0, $0x1F;
	[tilespmem:s25+$0x600] =	vst v4;
	s25 =	rddreg [dreg:$0x6]  }
0xc4: {  	s19 =	sshra.s32 s26, $0x2;
	s21 =	sshra.s32 s26, $0x1F;
	s2 =	sadd.s32 s3, s25  }
0xc5: {  	s25 =	sadd.s32 s10, s5;
	s10 =	rddreg [dreg:$0xb];
	s5 =	sadd.s32 s20, s13  }
0xc6: {  	s13 =	sshra.s32 s9, $0x2;
	s3 =	sadd.s32 s15, s10;
	s15 =	rddreg [dreg:$0xc]  }
0xc7: {  	v4 =	vmov s30;
	s10 =	sadd.s32 s22, s11;
	s22 =	sshrl.u32 s26, $0x1F;
	s15 =	sadd.s32 s16, s15  }
.Ltmp0:
0xc8: {  	vm9 =	vmmov vm12;
	v4 =	vsel vm6, s19, v4;
	s16 =	rddreg [dreg:$0xd];
	s24 =	sshra.s32 s10, $0x2;
	(pc) =	sbr.rel @p0 .LBB2_2-.Ltmp0, $4  }
0xc9: {  	vm6 =	vmmov vm1;
	v8 =	vsel vm8, s21, v4;
	v4 =	vmov s22;
	s16 =	sadd.s32 s17, s16;
	s18 =	sshrl.u32 s15, $0x1F;
	s15 =	sshra.s32 s15, $0x2  }
0xca: {  	s31 =	sshrl.u32 s25, $0x1F;
	v10 =	vsel vm1, s24, v8;
	v6 =	vmov s18;
	s20 =	sshrl.u32 s16, $0x1F;
	v5 =	vmov s15;
	s23 =	sshra.s32 s16, $0x2  }
0xcb: {  	s26 =	sshrl.u32 s12, $0x1F;
	s30 =	sshra.s32 s10, $0x1F;
	v9 =	vmov s20;
	v7 =	vmov s23;
	v8 =	vsel vm1, s31, v6;
	s31 =	rddreg [dreg:$0x3]  }
0xcc: {  	s11 =	sshra.s32 s25, $0x2;
	s12 =	sshra.s32 s12, $0x2;
	v6 =	vsel vm1, s26, v9;
	v9 =	vsel vm10, s30, v10;
	vm10 =	vmmov vm0;
	s14 =	sadd.s32 $0x40, s31  }
0xcd: {  	v5 =	vsel vm6, s11, v5  }
0xce: {  	v7 =	vsel vm6, s12, v7;
	v9 =	vsel vm3, s13, v9;
	vm6 =	vcmask $0x300  }
0xcf: {  	vm14 =	vmmov vm3;
	vm7 =	vcmask $0x2320;
	vm15 =	vcmask $0x2724  }
0xd0: {  	s14 =	sshrl.u32 s8, $0x1F;
	vm11 =	vcmask $0x2B28;
	vm5 =	vcmask $0x3330;
	vm13 =	vcmask $0x3734  }
0xd1: {  	s12 =	sshra.s32 s9, $0x1F;
	s13 =	sshrl.u32 s6, $0x1F;
	s16 =	sshra.s32 s6, $0x2;
	vm4 =	vcmask $0x3B38;
	v8 =	vsel vm3, s14, v8;
	v4 =	vnsel vm6, $0x0, v4  }
0xd2: {  	s15 =	sshra.s32 s7, $0x2;
	s14 =	sshra.s32 s8, $0x2;
	v9 =	vsel vm9, s12, v9;
	v6 =	vsel vm3, s13, v6;
	v7 =	vsel vm3, s16, v7  }
0xd3: {  	s10 =	sshrl.u32 s10, $0x1F;
	s17 =	sshra.s32 s7, $0x1F;
	s18 =	sshrl.u32 s2, $0x1F;
	v5 =	vsel vm3, s14, v5;
	v9 =	vsel vm2, s15, v9;
	vm3 =	vcmask $0x1F1C  }
0xd4: {  	s19 =	sshrl.u32 s4, $0x1F;
	s20 =	sshra.s32 s5, $0x2;
	s25 =	sshra.s32 s4, $0x2;
	v4 =	vsel vm1, s10, v4;
	v8 =	vsel vm2, s18, v8;
	v9 =	vsel vm3, s17, v9  }
0xd5: {  	s21 =	sshrl.u32 s9, $0x1F;
	s22 =	sshra.s32 s2, $0x2;
	s23 =	sshra.s32 s5, $0x1F;
	v6 =	vsel vm2, s19, v6;
	v7 =	vsel vm2, s25, v7;
	v9 =	vsel vm7, s20, v9  }
0xd6: {  	s24 =	sshrl.u32 s7, $0x1F;
	s26 =	sshra.s32 s3, $0x2;
	v4 =	vsel vm14, s21, v4;
	v5 =	vsel vm2, s22, v5;
	v9 =	vsel vm15, s23, v9  }
0xd7: {  	s30 =	sshrl.u32 s5, $0x1F;
	s1 =	sadd.s32 s1, s28;
	s31 =	sshra.s32 s3, $0x1F;
	vm3 =	vcmask $0x2F2C;
	v4 =	vsel vm2, s24, v4;
	v9 =	vsel vm11, s26, v9  }
0xd8: {  	s4 =	sshrl.u32 s3, $0x1F;
	s5 =	sshra.s32 s1, $0x2;
	v6 =	vcombine.low v6, v8;
	v4 =	vsel vm7, s30, v4;
	v8 =	vsel vm3, s31, v9  }
0xd9: {  	s6 =	sshrl.u32 s1, $0x1F;
	s1 =	sshra.s32 s1, $0x1F;
	v5 =	vcombine.low v7, v5;
	v4 =	vsel vm11, s4, v4;
	v7 =	vsel vm5, s5, v8  }
0xda: {  	s7 =	sshrl.u32 s0, $0x1F;
	s8 =	sshra.s32 s0, $0x2;
	v6 =	vperm.xlane v6, v0;
	v4 =	vsel vm5, s6, v4;
	v7 =	vsel vm13, s1, v7  }
0xdb: {  	v5 =	vperm.xlane v5, v0;
	v4 =	vsel vm4, s7, v4;
	v7 =	vsel vm4, s8, v7  }
0xdc: {  	v4 =	vperm.xlane v4, v1;
	v7 =	vperm.xlane v7, v1;
	_ =	sdelay $0x1  }
0xdd: {  	v4 =	vsel vm10, v4, v6;
	v5 =	vsel vm10, v7, v5  }
0xde: {  	v4 =	vadd.s32 v4, v5  }
0xdf: {  	v4 =	vmul.u32 $0xA, v4  }
0xe0: {  	v5 =	vld [tilespmem:s29+$0x0]  }
0xe1: {  	v4 =	vsub.s32 v3, v4  }
0xe2: {  	vm9 =	vlt.s32 v4, $0x0;
	v6 =	vadd.s32 $0xA, v4  }
0xe3: {  	v3 =	vmul.u32 $0x1279, v3;
	v4 =	vsel vm9, v6, v4  }
0xe4: {  	v4 =	vmul.u32 $0x186A0, v4  }
0xe5: {  	v3 =	vadd.s32 v3, v5  }
0xe6: {  	v3 =	vadd.s32 v4, v3  }
0xe7: {  	(v2sf) =	vpush v3, $0xF  }
0xe8: {  	(v2sf) =	vpush v3, $0xB;
	_ =	sdelay $0x1  }
0xe9: {  	(v2sf) =	vpush v3, $0x6;
	_ =	sdelay $0x1  }
0xea: {  	(v2sf) =	vpush v3, $0xE;
	_ =	sdelay $0x1  }
0xeb: {  	(v2sf) =	vpush v3, $0xA;
	_ =	sdelay $0x1  }
0xec: {  	(v2sf) =	vpush v3, $0xD;
	_ =	sdelay $0x1  }
0xed: {  	(v2sf) =	vpush v3, $0x9;
	_ =	sdelay $0x1  }
0xee: {  	(v2sf) =	vpush v3, $0x5;
	_ =	sdelay $0x1  }
0xef: {  	(v2sf) =	vpush v3, $0xC;
	s9 =	spop (v2sf)  }
0xf0: {  	s2 =	smulhi.u32 $0x431BDE83, s9;
	s11 =	spop (v2sf)  }
0xf1: {  	(v2sf) =	vpush v3, $0x8;
	s1 =	sshra.s32 s9, $0x1F;
	s4 =	smulhi.u32 $0x431BDE83, s11  }
0xf2: {  	s13 =	spop (v2sf);
	s24 =	smul.u32 $0x431BDE83, s1  }
0xf3: {  	(v2sf) =	vpush v3, $0x4;
	s3 =	sshra.s32 s11, $0x1F;
	s0 =	smulhi.u32 $0x431BDE83, s13  }
0xf4: {  	s26 =	spop (v2sf);
	s25 =	smul.u32 $0x431BDE83, s3  }
0xf5: {  	(v2sf) =	vpush v3, $0x3;
	s5 =	sshra.s32 s13, $0x1F;
	s8 =	smulhi.u32 $0x431BDE83, s26  }
0xf6: {  	s28 =	spop (v2sf);
	s1 =	smul.u32 $0x431BDE83, s5  }
0xf7: {  	s7 =	sshra.s32 s26, $0x1F;
	s10 =	smulhi.u32 $0x431BDE83, s28  }
0xf8: {  	(v2sf) =	vpush v3, $0x2;
	s30 =	spop (v2sf);
	s5 =	smul.u32 $0x431BDE83, s7  }
0xf9: {  	(v2sf) =	vpush v3, $0x1;
	s26 =	sshra.s32 s28, $0x1F;
	s12 =	smulhi.u32 $0x431BDE83, s30  }
0xfa: {  	(v2sf) =	vpush v3, $0x0;
	s31 =	spop (v2sf);
	s11 =	smul.u32 $0x431BDE83, s26  }
0xfb: {  	(v2sf) =	vpush v3, $0x7;
	s28 =	sshra.s32 s30, $0x1F;
	s14 =	smulhi.u32 $0x431BDE83, s31  }
0xfc: {  	s15 =	spop (v2sf);
	s7 =	smul.u32 $0x431BDE83, s28  }
0xfd: {  	s30 =	sshra.s32 s31, $0x1F;
	s16 =	smulhi.u32 $0x431BDE83, s15  }
0xfe: {  	s17 =	spop (v2sf);
	s26 =	smul.u32 $0x431BDE83, s30  }
0xff: {  	s31 =	sshra.s32 s15, $0x1F;
	s18 =	smulhi.u32 $0x431BDE83, s17  }
0x100: {  	s3 =	sadd.s32 s24, s2;
	s19 =	spop (v2sf);
	s24 =	smul.u32 $0x431BDE83, s31  }
0x101: {  	s9 =	sshra.s32 s17, $0x1F;
	s20 =	smulhi.u32 $0x431BDE83, s19  }
0x102: {  	s2 =	sadd.s32 s25, s4;
	s21 =	spop (v2sf);
	s4 =	smul.u32 $0x431BDE83, s9  }
0x103: {  	s12 =	sadd.s32 s7, s12;
	s25 =	sshra.s32 s19, $0x1F;
	s22 =	smulhi.u32 $0x431BDE83, s21  }
0x104: {  	s9 =	sadd.s32 s5, s8;
	s23 =	spop (v2sf);
	s30 =	smul.u32 $0x431BDE83, s25  }
0x105: {  	s8 =	sadd.s32 s11, s10;
	s21 =	sshra.s32 s21, $0x1F;
	s6 =	smulhi.u32 $0x431BDE83, s23  }
0x106: {  	s18 =	sadd.s32 s4, s18;
	s23 =	sshra.s32 s23, $0x1F;
	s4 =	smul.u32 $0x431BDE83, s21  }
0x107: {  	s5 =	sadd.s32 s24, s16;
	s16 =	smul.u32 $0x431BDE83, s23;
	s13 =	spop (v2sf)  }
0x108: {  	s14 =	sadd.s32 s26, s14;
	s15 =	smulhi.u32 $0x431BDE83, s13;
	s28 =	spop (v2sf)  }
0x109: {  	s10 =	sadd.s32 s30, s20;
	s17 =	smulhi.u32 $0x431BDE83, s28;
	s7 =	spop (v2sf)  }
0x10a: {  	s26 =	sshra.s32 s18, $0x12;
	s19 =	smulhi.u32 $0x431BDE83, s7;
	s31 =	spop (v2sf)  }
0x10b: {  	s24 =	sshrl.u32 s10, $0x1F;
	s25 =	smulhi.u32 $0x431BDE83, s31;
	s11 =	sshra.s32 s31, $0x1F  }
0x10c: {  	s10 =	sshra.s32 s10, $0x12;
	s30 =	sshra.s32 s7, $0x1F;
	s11 =	smul.u32 $0x431BDE83, s11  }
0x10d: {  	s13 =	sshra.s32 s13, $0x1F;
	s7 =	sadd.s32 s4, s22;
	s20 =	smul.u32 $0x431BDE83, s30  }
0x10e: {  	s22 =	sshrl.u32 s18, $0x1F;
	s31 =	sshra.s32 s28, $0x1F;
	s4 =	sadd.s32 s11, s25  }
0x10f: {  	vm8 =	vcmask $0x704;
	vm9 =	vcmask $0xF0C;
	s19 =	sadd.s32 s20, s19;
	s11 =	smul.u32 $0x431BDE83, s31;
	s21 =	sshra.s32 s4, $0x1F  }
0x110: {  	v7 =	vmov s26;
	s13 =	smul.u32 $0x431BDE83, s13;
	v5 =	vmov s22;
	s22 =	sshra.s32 s12, $0x12;
	s23 =	sshra.s32 s19, $0x12;
	v4 =	vmov s21  }
0x111: {  	v6 =	vmov s24;
	v9 =	vmov s10;
	s20 =	sshrl.u32 s14, $0x1F;
	s25 =	sshra.s32 s19, $0x1F;
	s11 =	sadd.s32 s11, s17;
	v4 =	vsel vm6, s23, v4  }
0x112: {  	v7 =	vsel vm1, s22, v7;
	s28 =	sshrl.u32 s19, $0x1F;
	s31 =	sshrl.u32 s12, $0x1F;
	v6 =	vsel vm1, s20, v6;
	s30 =	sshra.s32 s11, $0x12;
	v4 =	vsel vm8, s25, v4  }
0x113: {  	s26 =	sshrl.u32 s8, $0x1F;
	s13 =	sadd.s32 s13, s15;
	v8 =	vmov s28;
	v5 =	vsel vm1, s31, v5;
	s19 =	sshra.s32 s11, $0x1F;
	v4 =	vsel vm1, s30, v4  }
0x114: {  	s15 =	sshrl.u32 s2, $0x1F;
	v6 =	vsel vm14, s26, v6;
	s21 =	sshra.s32 s13, $0x12;
	v8 =	vnsel vm6, $0x0, v8;
	v4 =	vsel vm9, s19, v4  }
0x115: {  	s6 =	sadd.s32 s16, s6;
	s24 =	sshra.s32 s13, $0x1F;
	v6 =	vsel vm2, s15, v6;
	s23 =	sshra.s32 s14, $0x12;
	vm8 =	vcmask $0x1714;
	v4 =	vsel vm14, s21, v4  }
0x116: {  	s28 =	sshra.s32 s6, $0x12;
	vm6 =	vmmov vm1;
	s25 =	sshrl.u32 s9, $0x1F;
	v9 =	vsel vm1, s23, v9;
	v4 =	vsel vm8, s24, v4  }
0x117: {  	s8 =	sshra.s32 s8, $0x12;
	s31 =	sshra.s32 s6, $0x1F;
	s9 =	sshra.s32 s9, $0x12;
	v5 =	vsel vm14, s25, v5;
	vm1 =	vcmask $0x1F1C;
	v4 =	vsel vm2, s28, v4  }
0x118: {  	s12 =	sshrl.u32 s3, $0x1F;
	s14 =	sshra.s32 s7, $0x12;
	s30 =	sshrl.u32 s11, $0x1F;
	v7 =	vsel vm14, s9, v7;
	v9 =	vsel vm14, s8, v9;
	v4 =	vsel vm1, s31, v4  }
0x119: {  	s16 =	sshrl.u32 s13, $0x1F;
	s3 =	sshra.s32 s3, $0x12;
	s17 =	sshra.s32 s7, $0x1F;
	v8 =	vsel vm6, s30, v8;
	v5 =	vsel vm2, s12, v5;
	v4 =	vsel vm7, s14, v4  }
0x11a: {  	s18 =	sshra.s32 s5, $0x12;
	s2 =	sshra.s32 s2, $0x12;
	s6 =	sshrl.u32 s6, $0x1F;
	v7 =	vsel vm2, s3, v7;
	v8 =	vsel vm14, s16, v8;
	v4 =	vsel vm15, s17, v4  }
0x11b: {  	s0 =	sadd.s32 s1, s0;
	s20 =	sshra.s32 s5, $0x1F;
	s19 =	sshrl.u32 s7, $0x1F;
	v9 =	vsel vm2, s2, v9;
	v8 =	vsel vm2, s6, v8;
	v4 =	vsel vm11, s18, v4  }
0x11c: {  	s22 =	sshra.s32 s0, $0x12;
	s21 =	sshrl.u32 s5, $0x1F;
	v5 =	vcombine.low v6, v5;
	v8 =	vsel vm7, s19, v8;
	v4 =	vsel vm3, s20, v4  }
0x11d: {  	s23 =	sshrl.u32 s0, $0x1F;
	s0 =	sshra.s32 s0, $0x1F;
	v6 =	vcombine.low v9, v7;
	v8 =	vsel vm11, s21, v8;
	v4 =	vsel vm5, s22, v4  }
0x11e: {  	s25 =	sshra.s32 s4, $0x12;
	s24 =	sshrl.u32 s4, $0x1F;
	v5 =	vperm.xlane v5, v0;
	v7 =	vsel vm5, s23, v8;
	v4 =	vsel vm13, s0, v4  }
0x11f: {  	v6 =	vperm.xlane v6, v0;
	v7 =	vsel vm4, s24, v7;
	v4 =	vsel vm4, s25, v4  }
0x120: {  	v7 =	vperm.xlane v7, v1;
	v4 =	vperm.xlane v4, v1;
	_ =	sdelay $0x1  }
0x121: {  	v5 =	vsel vm10, v7, v5;
	v4 =	vsel vm10, v4, v6  }
0x122: {  	v4 =	vadd.s32 v5, v4  }
0x123: {  	v4 =	vmul.u32 $0xF4240, v4;
	_ =	sdelay $0x1  }
0x124: {  	v3 =	vsub.s32 v3, v4  }
0x125: {  	vm9 =	vlt.s32 v3, $0x0;
	v4 =	vadd.s32 $0xF4240, v3  }
0x126: {  	s26 =	simm.s32 $0x0;
	s28 =	sld [smem:$0x7F9];
	v3 =	vsel vm9, v4, v3  }
0x127: {  	s2 =	simm.s32 $0x200;
	v4 =	vmov s26;
	[tilespmem:s29+$0x400] =	vst v3;
	v3 =	vand.u32 $0x3FFFF, v3  }
0x128: {  	s3 =	simm.s32 $0x800;
	s30 =	simm.s32 $0x1;
	v4 =	vshll.u32 v4, $0x7;
	[tilespmem:s29+$0x600] =	vst v3;
	s29 =	simm.s32 $0x600  }
0x129: {  	v3 =	vor.u32 v2, v4;
	[tilespmem:s3], [sflag:$0x1] =	stream.indirect.gather [hbm4b:s28+s2], $0x80, s29, s2, $0xb8;
	[tilespmem:$0x10800] =	vst v63  }
0x12a: {  	v4 =	vor.u32 $0x1, v3;
	_ =	swait.ge [sflag:s30], $0x10000  }
0x12b: {  	[sflag:s30] =	ssyncset.done $0x0  }
0x12c: {  	s0 =	simm.s32 $0x400;
	[sflag:s30] =	ssyncadd.s32 $0xFFFF0000  }
0x12d: {  	v8 =	vld [tilespmem:s0+$0x0]  }
0x12e: {  	s31 =	simm.s32 $0x10;
	v6 =	vld.idx.msk [tilespmem:v3+s3+$0x0], $0xffff  }
0x12f: {  	v5 =	vmov s31;
	v7 =	vld.idx.msk [tilespmem:v4+s3+$0x0], $0xffff  }
0x130: {  	v5 =	vshll.u32 v5, $0x7  }
0x131: {  	s1 =	simm.s32 $0x20;
	v5 =	vor.u32 v2, v5  }
.LBB2_4:
0x132: {  	p0 =	sne.s32 s1, $0x1F0;
	v9 =	vor.u32 $0x1, v5;
	v10 =	vshrl.u32 v8, $0x12  }
0x133: {  	v8 =	vshrl.u32 v8, $0x13;
	v6 =	vand.u32 $0xFFFFFFFE, v6;
	v10 =	vand.u32 $0x1, v10  }
0x134: {  	v8 =	vand.u32 $0x1, v8;
	v7 =	vand.u32 $0xFFFFFFFE, v7;
	v6 =	vor.u32 v10, v6  }
0x135: {  	[tilespmem:v3+s3+$0x0] =	vst.idx.msk $0xffff, v6;
	v6 =	vor.u32 v8, v7;
	v3 =	vmov v5  }
0x136: {  	[tilespmem:v4+s3+$0x0] =	vst.idx.msk $0xffff, v6;
	v4 =	vmov v9  }
0x137: {  	s0 =	sadd.s32 $0x10, s0;
	v6 =	vld.idx.msk [tilespmem:v5+s3+$0x0], $0xffff  }
.Ltmp1:
0x138: {  	v8 =	vld [tilespmem:s0+$0x0];
	(pc) =	sbr.rel @p0 .LBB2_4-.Ltmp1, $4  }
0x139: {  	v7 =	vld.idx.msk [tilespmem:v9+s3+$0x0], $0xffff  }
0x13a: {  	v5 =	vmov s1  }
0x13b: {  	v5 =	vshll.u32 v5, $0x7  }
0x13c: {  	s1 =	sadd.s32 $0x10, s1;
	v5 =	vor.u32 v2, v5  }
0x13d: {  	_ = 	snop  }
0x13e: {  	v9 =	vor.u32 $0x1, v5;
	v10 =	vshrl.u32 v8, $0x12  }
0x13f: {  	v62 =	vshrl.u32 v8, $0x13;
	v6 =	vand.u32 $0xFFFFFFFE, v6;
	v10 =	vand.u32 $0x1, v10  }
0x140: {  	v8 =	vand.u32 $0x1, v62;
	v7 =	vand.u32 $0xFFFFFFFE, v7;
	v6 =	vor.u32 v10, v6  }
0x141: {  	[tilespmem:v3+s3+$0x0] =	vst.idx.msk $0xffff, v6;
	v3 =	vor.u32 v8, v7  }
0x142: {  	s0 =	sadd.s32 $0x10, s0;
	[tilespmem:v4+s3+$0x0] =	vst.idx.msk $0xffff, v3  }
0x143: {  	v3 =	vld [tilespmem:s0+$0x0]  }
0x144: {  	v4 =	vld.idx.msk [tilespmem:v5+s3+$0x0], $0xffff  }
0x145: {  	v6 =	vld.idx.msk [tilespmem:v9+s3+$0x0], $0xffff;
	_ =	sdelay $0x2  }
0x146: {  	v63 =	vshrl.u32 v3, $0x12  }
0x147: {  	v3 =	vshrl.u32 v3, $0x13;
	v4 =	vand.u32 $0xFFFFFFFE, v4;
	v7 =	vand.u32 $0x1, v63  }
0x148: {  	s29 =	sld [smem:$0x7FC];
	v6 =	vand.u32 $0xFFFFFFFE, v6;
	v3 =	vand.u32 $0x1, v3;
	v4 =	vor.u32 v7, v4  }
0x149: {  	v3 =	vor.u32 v3, v6;
	[tilespmem:v5+s3+$0x0] =	vst.idx.msk $0xffff, v4  }
0x14a: {  	s5 =	simm.s32 $0x0;
	s1 =	simm.s32 $0x2;
	[tilespmem:v9+s3+$0x0] =	vst.idx.msk $0xffff, v3  }
0x14b: {  	[hbm4b:s29+s5] =	stream.linear.scatter [tilespmem:s3], [sflag:$0x2], $0x10000, $0x38;
	[tilespmem:$0x10800] =	vst v63  }
0x14c: {  	_ =	swait.ge [sflag:s1], $0x10000  }
0x14d: {  	s30 =	sld [smem:$0x7F8]  }
0x14e: {  	s31 =	sld [smem:$0x7FD];
	_ =	sdelay $0x1  }
0x14f: {  	s3 =	sadd.s32 $0x1, s30  }
0x150: {  	p0 =	sne.s32 s3, s31  }
.Ltmp2:
0x151: {  	_ = 	snop;
	(pc) =	sbr.rel @p0 .LBB2_1-.Ltmp2, $3  }
0x152: {  	_ =	sdelay $0x1  }
0x153: {  	vm8 =	vcmask $0x704;
	vm3 =	vcmask $0xF0C;
	[sflag:s1] =	ssyncset.done $0x0  }
0x154: {  	vm9 =	vmmov vm12;
	vm4 =	vcmask $0x300;
	vm10 =	vmmov vm0;
	[sflag:s1] =	ssyncadd.s32 $0xFFFF0000  }
0x155: {  	_ =	sfence.sel $0x180000  }
0x156: {  	[bflag:$0x0] =	sbarrier.arrive $0xFFFF  }
0x157: {  	_ =	strace $0x90000047  }
0x158: {  	s0 =	stileid.u32;
	[bflag:$0x2] =	sbarrier.arrive $0xFFFF  }
0x159: {  	p0 =	sne.s32 s0, $0x0;
	s0 =	rddreg [dreg:$0x2]  }
0x15a: {  	s0 =	sadd.s32 @!p0 $0x100000, s0  }
0x15b: {  	[sflag:s0] =	ssyncadd.tile.s32 @!p0 $0x1;
	_ =	shalt  }
.Lfunc_end2:
_tile_overlayer_lowered:
.L_overlay_start_2:
0x15c: {  	(tag) =	ssettag $0x2  }
0x15d: {  	s0 =	rddreg [dreg:$0x0];
	s2 =	stileid.u32  }
0x15e: {  	s1 =	rddreg [dreg:$0x1];
	p0 =	sne.s32 s2, $0x0  }
0x15f: {  	s3 =	rddreg [dreg:$0x2];
	[bflag:$0x3] =	sbarrier.arrive $0xFFFF;
	s2 =	simm.s32 @!p0 $0x1C02  }
0x160: {  	[timem:s3], [sflag:s2] =	dma.local @!p0 [hbm:s0], s1  }
0x161: {  	s0 =	simm.s32 @!p0 $0x2  }
0x162: {  	_ =	swait.ge @!p0 [sflag:s0], s1  }
0x163: {  	s1 =	ssub.s32 @!p0 $0x0, s1;
	[sflag:s0] =	ssyncset.done @!p0 $0x0  }
0x164: {  	[sflag:s0] =	ssyncadd.s32 @!p0 s1  }
0x165: {  	[bflag:$0x3] =	sbarrier.arrive $0xFFFF  }
0x166: {  	_ =	shalt  }

</sc_bundles>
